<compile_context>
chip_gen: v7x
topology: tpu7x:2x2x1
jax: 0.10.2.dev20260603
libtpu: 0.0.44.dev20260713+nightly
codegen_flags: <defaults>
</compile_context>

<pallas_src>
import functools

import numpy as np
import jax
import jax.numpy as jnp
from jax import lax
from jax.experimental import pallas as pl
from jax.experimental.pallas import tpu as pltpu
from jax.experimental.pallas import tpu_sc as plsc

_D = 64
_BATCH = 4096
_SEQ = 200
_COND = 128
_MAXVAL = 100.0

_NC = 2
_NS = 16
_NW = _NC * _NS
_BB = 512
_SG = _SEQ // 8


def _tc_body(t_ref, cond_ref, w_ref, te_ref, co_ref):
    t = t_ref[:]
    row = lax.broadcasted_iota(jnp.int32, (_D, _BB), 0)
    half = jnp.where(row < _D // 2, row, row - _D // 2).astype(jnp.float32)
    inv_freq = jnp.exp(half * (-2.0 * float(np.log(_MAXVAL)) / _D))
    arg = t * inv_freq
    te_ref[:] = jnp.where(row < _D // 2, jnp.sin(arg), jnp.cos(arg))
    co_ref[:] = lax.dot_general(
        w_ref[:], cond_ref[:],
        dimension_numbers=(((1,), (1,)), ((), ())),
        preferred_element_type=jnp.float32,
    )


_tc_call = pl.pallas_call(
    _tc_body,
    grid=(_BATCH // _BB,),
    in_specs=[
        pl.BlockSpec((1, _BB), lambda i: (0, i)),
        pl.BlockSpec((_BB, _COND), lambda i: (i, 0)),
        pl.BlockSpec((_D, _COND), lambda i: (0, 0)),
    ],
    out_specs=[
        pl.BlockSpec((_D, _BB), lambda i: (0, i)),
        pl.BlockSpec((_D, _BB), lambda i: (0, i)),
    ],
    out_shape=[
        jax.ShapeDtypeStruct((_D, _BATCH), jnp.float32),
        jax.ShapeDtypeStruct((_D, _BATCH), jnp.float32),
    ],
)


_TB = 512


def _tab_body(tin_ref, tout_ref):
    blk = lax.transpose(tin_ref[:], (1, 0))
    tout_ref[:, : _D] = blk
    tout_ref[:, _D:] = jnp.zeros((_TB, _D), jnp.float32)


_tab_call = pl.pallas_call(
    _tab_body,
    grid=(1000000 // _TB,),
    in_specs=[pl.BlockSpec((_D, _TB), lambda i: (0, i))],
    out_specs=pl.BlockSpec((_TB, 128), lambda i: (i, 0)),
    out_shape=jax.ShapeDtypeStruct((1000000, 128), jnp.float32),
)


def _sc_body(x_ref, te_ref, tab_ref, out_ref,
             idx_v, rows0, rows1, blk0, blk1, te_b, gsem0, gsem1, wsem):
    w = lax.axis_index("s") * _NC + lax.axis_index("c")
    b_lo = w * 128

    rows = (rows0, rows1)
    gsem = (gsem0, gsem1)
    blk = (blk0, blk1)

    pltpu.sync_copy(x_ref.at[:, pl.ds(w, 1)], idx_v)

    pltpu.sync_copy(te_ref.at[:, :, pl.ds(b_lo, 128)], te_b)
    pltpu.sync_copy(te_b, out_ref.at[pl.ds(0, 1), :, pl.ds(b_lo, 128)])

    iota = jnp.arange(16, dtype=jnp.int32)

    def fire_gather(s, p):
        sm1 = s - 1
        pltpu.async_copy(
            tab_ref.at[idx_v.at[sm1 // 8, 0, sm1 % 8]],
            rows[p], gsem[p])

    def gwait(p):
        pltpu.make_async_copy(tab_ref.at[pl.ds(0, 128)], rows[p],
                              gsem[p]).wait()

    def wwait():
        pltpu.make_async_copy(blk0, out_ref.at[pl.ds(0, 1), :, pl.ds(0, 128)],
                              wsem).wait()

    def transpose_store(s, p):
        @plsc.parallel_loop(0, 64, 1, unroll=2)
        def _(i):
            cv = (iota + (i & 15)) % 16 + ((i >> 4) << 4)
            for b0 in range(0, 128, 16):
                bv = iota + b0
                v = plsc.load_gather(rows[p], [bv, cv])
                plsc.store_scatter(blk[p], [jnp.zeros((16,), jnp.int32),
                                            cv, bv], v)
        pltpu.async_copy(blk[p],
                         out_ref.at[pl.ds(s, 1), :, pl.ds(b_lo, 128)], wsem)

    fire_gather(1, 0)
    fire_gather(2, 1)

    def pair(k, c):
        s_a = 2 * k + 1

        @pl.when(k >= 1)
        def _():
            wwait()
        gwait(0)
        transpose_store(s_a, 0)

        @pl.when(k <= _SEQ // 2 - 2)
        def _():
            fire_gather(s_a + 2, 0)

        @pl.when(k >= 1)
        def _():
            wwait()
        gwait(1)
        transpose_store(s_a + 1, 1)

        @pl.when(k <= _SEQ // 2 - 2)
        def _():
            fire_gather(s_a + 3, 1)
        return c

    lax.fori_loop(0, _SEQ // 2, pair, 0)
    wwait()
    wwait()


_sc_embed = pl.kernel(
    _sc_body,
    out_type=jax.ShapeDtypeStruct((_SEQ + 1, _D, _BATCH), jnp.float32),
    mesh=plsc.VectorSubcoreMesh(core_axis_name="c", subcore_axis_name="s"),
    scratch_types=[
        pltpu.VMEM((_SEQ // 8, 1, 8, 128), jnp.int32),
        pltpu.VMEM((128, 128), jnp.float32),
        pltpu.VMEM((128, 128), jnp.float32),
        pltpu.VMEM((1, _D, 128), jnp.float32),
        pltpu.VMEM((1, _D, 128), jnp.float32),
        pltpu.VMEM((1, _D, 128), jnp.float32),
        pltpu.SemaphoreType.DMA,
        pltpu.SemaphoreType.DMA,
        pltpu.SemaphoreType.DMA,
    ],
    compiler_params=pltpu.CompilerParams(needs_layout_passes=False),
)


@jax.jit
def kernel(x, t, condition_emb, x_emb_table, cond_weight):
    teT, coT = _tc_call(t.reshape(1, _BATCH), condition_emb, cond_weight)
    xq = x.T.reshape(_SEQ // 8, 8, _NW, 128).transpose(0, 2, 1, 3)
    tabp = _tab_call(x_emb_table.T)
    out3 = _sc_embed(xq, teT.reshape(1, _D, _BATCH), tabp)
    out = out3.transpose(2, 0, 1)
    return out, coT.T

# --- scband reference (transcript-rebuilt; emitter-appended) ---
"""Pipeline reference for scband-jepa-di-t-embedder-discrete-81286551044827 (READ-ONLY COPY).

The authoritative reference and input builder live on the scoring server;
editing this copy changes nothing except your own understanding.
"""

import jax, jax.numpy as jnp
import numpy as np

D_MODEL = 64
VOCAB = 1000000
BATCH = 4096
SEQ = 200
COND_DIM = 128
MAXVAL = 100


def setup_inputs(seed: int = 0) -> dict:
    key = jax.random.key(seed)
    k1, k2, k3, k4, k5 = jax.random.split(key, 5)
    x = jax.random.randint(k1, (BATCH, SEQ), 0, VOCAB, dtype=jnp.int64 if jax.config.jax_enable_x64 else jnp.int32).astype(jnp.int32)
    t = jax.random.uniform(k2, (BATCH,), dtype=jnp.float32)
    condition_emb = jax.random.normal(k3, (BATCH, COND_DIM), dtype=jnp.float32)
    x_emb_table = jax.random.normal(k4, (VOCAB, D_MODEL), dtype=jnp.float32) * 0.02
    cond_weight = jax.random.normal(k5, (D_MODEL, COND_DIM), dtype=jnp.float32) * 0.02
    return {"x": x, "t": t, "condition_emb": condition_emb, "x_emb_table": x_emb_table, "cond_weight": cond_weight}


def get_time_embedding(t, d_model, maxval=MAXVAL):
    t = t[:, None].astype(jnp.float32)
    inv_freq = 1.0 / (maxval ** (jnp.arange(0, d_model, 2, dtype=jnp.float32) / d_model))
    pos_enc_a = jnp.sin(jnp.tile(t, (1, d_model // 2)) * inv_freq)
    pos_enc_b = jnp.cos(jnp.tile(t, (1, d_model // 2)) * inv_freq)
    return jnp.concatenate([pos_enc_a, pos_enc_b], axis=-1)


def reference(x, t, condition_emb, x_emb_table, cond_weight):
    # embedding lookup
    x_e = jnp.take(x_emb_table, x, axis=0)  # [B, S, d_model]
    # sinusoidal time embedding
    t_e = get_time_embedding(t, D_MODEL)  # [B, d_model]
    t_e = t_e[:, None, :]  # [B, 1, d_model]
    dit_input_emb = jnp.concatenate([t_e, x_e], axis=1)  # [B, S+1, d_model]
    # condition projection (Linear without bias: x @ W.T)
    cond_out = condition_emb @ cond_weight.T  # [B, d_model]
    return (dit_input_emb, cond_out)

if __name__ == "__main__":
    import jax
    _d = setup_inputs()
    print(jax.jit(kernel)(*tuple(_d.values())))

</pallas_src>

<mosaic_0001>
#map = affine_map<(d0, d1) -> (0, 0, 0, 0)>
#map1 = affine_map<(d0, d1) -> (0, 0, 0)>
#map2 = affine_map<(d0, d1) -> (0, 0)>
module attributes {stable_mosaic.version = 14 : i64} {
  func.func @_sc_body(%arg0: i32, %arg1: i32, %arg2: memref<25x32x8x128xi32, #tpu.memory_space<hbm>>, %arg3: memref<1x64x4096xf32, #tpu.memory_space<hbm>>, %arg4: memref<1000000x128xf32, #tpu.memory_space<hbm>>, %arg5: memref<201x64x4096xf32, #tpu.memory_space<hbm>>, %arg6: memref<25x1x8x128xi32, #tpu.memory_space<vmem>>, %arg7: memref<128x128xf32, #tpu.memory_space<vmem>>, %arg8: memref<128x128xf32, #tpu.memory_space<vmem>>, %arg9: memref<1x64x128xf32, #tpu.memory_space<vmem>>, %arg10: memref<1x64x128xf32, #tpu.memory_space<vmem>>, %arg11: memref<1x64x128xf32, #tpu.memory_space<vmem>>, %arg12: memref<!tpu.dma_semaphore, #tpu.memory_space<semaphore_mem>>, %arg13: memref<!tpu.dma_semaphore, #tpu.memory_space<semaphore_mem>>, %arg14: memref<!tpu.dma_semaphore, #tpu.memory_space<semaphore_mem>>) attributes {dimension_semantics = [#tpu.dimension_semantics<core_parallel>, #tpu.dimension_semantics<subcore_parallel>], iteration_bounds = array<i64: 2, 16>, scalar_prefetch = 0 : i64, scratch_operands = 9 : i64, tpu.core_type = #tpu.core_type<sc_vector_subcore>, window_params = [{transform_indices = #map}, {transform_indices = #map1}, {transform_indices = #map2}, {transform_indices = #map1}]} {
    %mul3A = arith.constant 2 : i32
    %mul3A_0 = arith.muli %arg1, %mul3A : i32
    %add3A = arith.addi %mul3A_0, %arg0 : i32
    %mul3A_1 = arith.constant 128 : i32
    %mul3A_2 = arith.muli %add3A, %mul3A_1 : i32
    "tpu.region"() ({
      %run_scoped3A = tpu.sem_alloc : memref<!tpu.dma_semaphore, #tpu.memory_space<semaphore_mem>>
      %dma_start3A_40 = arith.constant 0 : i32
      %dma_start3A_41 = arith.constant 0 : i32
      %dma_start3A_42 = arith.constant 0 : i32
      %dma_start3A_43 = tpu.memref_slice %arg2[%dma_start3A_40, %add3A, %dma_start3A_41, %dma_start3A_42] : memref<25x32x8x128xi32, #tpu.memory_space<hbm>> -> memref<25x1x8x128xi32, #tpu.memory_space<hbm>>
      %dma_start3A_44 = arith.constant 0 : i32
      %dma_start3A_45 = arith.constant 0 : i32
      %dma_start3A_46 = arith.constant 0 : i32
      %dma_start3A_47 = tpu.memref_slice %arg2[%dma_start3A_44, %add3A, %dma_start3A_45, %dma_start3A_46] : memref<25x32x8x128xi32, #tpu.memory_space<hbm>> -> memref<25x1x8x128xi32, #tpu.memory_space<hbm>>
      tpu.enqueue_dma source(%dma_start3A_47 : memref<25x1x8x128xi32, #tpu.memory_space<hbm>>) target(%arg6 : memref<25x1x8x128xi32, #tpu.memory_space<vmem>>) target_semaphore(%run_scoped3A : memref<!tpu.dma_semaphore, #tpu.memory_space<semaphore_mem>>)
      %dma_wait3A_48 = arith.constant 0 : i32
      %dma_wait3A_49 = arith.constant 0 : i32
      %dma_wait3A_50 = arith.constant 0 : i32
      %dma_wait3A_51 = tpu.memref_slice %arg2[%dma_wait3A_48, %add3A, %dma_wait3A_49, %dma_wait3A_50] : memref<25x32x8x128xi32, #tpu.memory_space<hbm>> -> memref<25x1x8x128xi32, #tpu.memory_space<hbm>>
      %dma_wait3A_52 = arith.constant 0 : i32
      %dma_wait3A_53 = arith.constant 0 : i32
      %dma_wait3A_54 = arith.constant 0 : i32
      %dma_wait3A_55 = tpu.memref_slice %arg2[%dma_wait3A_52, %add3A, %dma_wait3A_53, %dma_wait3A_54] : memref<25x32x8x128xi32, #tpu.memory_space<hbm>> -> memref<25x1x8x128xi32, #tpu.memory_space<hbm>>
      tpu.wait_dma2 semaphore(%run_scoped3A : memref<!tpu.dma_semaphore, #tpu.memory_space<semaphore_mem>>) src(%dma_wait3A_55 : memref<25x1x8x128xi32, #tpu.memory_space<hbm>>) dst(%arg6 : memref<25x1x8x128xi32, #tpu.memory_space<vmem>>)
      tpu.yield
    }) : () -> ()
    "tpu.region"() ({
      %run_scoped3A = tpu.sem_alloc : memref<!tpu.dma_semaphore, #tpu.memory_space<semaphore_mem>>
      %dma_start3A_40 = arith.constant 0 : i32
      %dma_start3A_41 = arith.constant 0 : i32
      %dma_start3A_42 = tpu.memref_slice %arg3[%dma_start3A_40, %dma_start3A_41, %mul3A_2] : memref<1x64x4096xf32, #tpu.memory_space<hbm>> -> memref<1x64x128xf32, #tpu.memory_space<hbm>>
      %dma_start3A_43 = arith.constant 0 : i32
      %dma_start3A_44 = arith.constant 0 : i32
      %dma_start3A_45 = tpu.memref_slice %arg3[%dma_start3A_43, %dma_start3A_44, %mul3A_2] : memref<1x64x4096xf32, #tpu.memory_space<hbm>> -> memref<1x64x128xf32, #tpu.memory_space<hbm>>
      tpu.enqueue_dma source(%dma_start3A_45 : memref<1x64x128xf32, #tpu.memory_space<hbm>>) target(%arg11 : memref<1x64x128xf32, #tpu.memory_space<vmem>>) target_semaphore(%run_scoped3A : memref<!tpu.dma_semaphore, #tpu.memory_space<semaphore_mem>>)
      %dma_wait3A_46 = arith.constant 0 : i32
      %dma_wait3A_47 = arith.constant 0 : i32
      %dma_wait3A_48 = tpu.memref_slice %arg3[%dma_wait3A_46, %dma_wait3A_47, %mul3A_2] : memref<1x64x4096xf32, #tpu.memory_space<hbm>> -> memref<1x64x128xf32, #tpu.memory_space<hbm>>
      %dma_wait3A_49 = arith.constant 0 : i32
      %dma_wait3A_50 = arith.constant 0 : i32
      %dma_wait3A_51 = tpu.memref_slice %arg3[%dma_wait3A_49, %dma_wait3A_50, %mul3A_2] : memref<1x64x4096xf32, #tpu.memory_space<hbm>> -> memref<1x64x128xf32, #tpu.memory_space<hbm>>
      tpu.wait_dma2 semaphore(%run_scoped3A : memref<!tpu.dma_semaphore, #tpu.memory_space<semaphore_mem>>) src(%dma_wait3A_51 : memref<1x64x128xf32, #tpu.memory_space<hbm>>) dst(%arg11 : memref<1x64x128xf32, #tpu.memory_space<vmem>>)
      tpu.yield
    }) : () -> ()
    "tpu.region"() ({
      %run_scoped3A = tpu.sem_alloc : memref<!tpu.dma_semaphore, #tpu.memory_space<semaphore_mem>>
      %dma_start3A_40 = arith.constant 0 : i32
      %dma_start3A_41 = arith.constant 0 : i32
      %dma_start3A_42 = tpu.memref_slice %arg5[%dma_start3A_40, %dma_start3A_41, %mul3A_2] : memref<201x64x4096xf32, #tpu.memory_space<hbm>> -> memref<1x64x128xf32, #tpu.memory_space<hbm>>
      %dma_start3A_43 = arith.constant 0 : i32
      %dma_start3A_44 = arith.constant 0 : i32
      %dma_start3A_45 = tpu.memref_slice %arg5[%dma_start3A_43, %dma_start3A_44, %mul3A_2] : memref<201x64x4096xf32, #tpu.memory_space<hbm>> -> memref<1x64x128xf32, #tpu.memory_space<hbm>>
      tpu.enqueue_dma source(%arg11 : memref<1x64x128xf32, #tpu.memory_space<vmem>>) target(%dma_start3A_45 : memref<1x64x128xf32, #tpu.memory_space<hbm>>) target_semaphore(%run_scoped3A : memref<!tpu.dma_semaphore, #tpu.memory_space<semaphore_mem>>)
      %dma_wait3A_46 = arith.constant 0 : i32
      %dma_wait3A_47 = arith.constant 0 : i32
      %dma_wait3A_48 = tpu.memref_slice %arg5[%dma_wait3A_46, %dma_wait3A_47, %mul3A_2] : memref<201x64x4096xf32, #tpu.memory_space<hbm>> -> memref<1x64x128xf32, #tpu.memory_space<hbm>>
      %dma_wait3A_49 = arith.constant 0 : i32
      %dma_wait3A_50 = arith.constant 0 : i32
      %dma_wait3A_51 = tpu.memref_slice %arg5[%dma_wait3A_49, %dma_wait3A_50, %mul3A_2] : memref<201x64x4096xf32, #tpu.memory_space<hbm>> -> memref<1x64x128xf32, #tpu.memory_space<hbm>>
      tpu.wait_dma2 semaphore(%run_scoped3A : memref<!tpu.dma_semaphore, #tpu.memory_space<semaphore_mem>>) src(%arg11 : memref<1x64x128xf32, #tpu.memory_space<vmem>>) dst(%dma_wait3A_51 : memref<1x64x128xf32, #tpu.memory_space<hbm>>)
      tpu.yield
    }) : () -> ()
    %iota3A = tpu.iota {dimensions = array<i32: 0>} : vector<16xi32>
    %dma_start3A = arith.constant 0 : i32
    %dma_start3A_3 = arith.constant 0 : i32
    %dma_start3A_4 = arith.constant 0 : i32
    %dma_start3A_5 = arith.constant 0 : i32
    %dma_start3A_6 = tpu.memref_slice %arg6[%dma_start3A, %dma_start3A_3, %dma_start3A_4, %dma_start3A_5] : memref<25x1x8x128xi32, #tpu.memory_space<vmem>> -> memref<1x1x1x128xi32, #tpu.memory_space<vmem>>
    %dma_start3A_7 = tpu.memref_squeeze %dma_start3A_6 : memref<1x1x1x128xi32, #tpu.memory_space<vmem>> -> memref<128xi32, #tpu.memory_space<vmem>>
    %dma_start3A_8 = arith.constant 0 : i32
    %dma_start3A_9 = arith.constant 0 : i32
    %dma_start3A_10 = tpu.memref_slice %arg4[%dma_start3A_8, %dma_start3A_9] : memref<1000000x128xf32, #tpu.memory_space<hbm>> -> memref<1000000x128xf32, #tpu.memory_space<hbm>>
    tpu.enqueue_indirect_dma source(%dma_start3A_10 : memref<1000000x128xf32, #tpu.memory_space<hbm>>) target(%arg7 : memref<128x128xf32, #tpu.memory_space<vmem>>) offsets(%dma_start3A_7 : memref<128xi32, #tpu.memory_space<vmem>>) semaphore(%arg12 : memref<!tpu.dma_semaphore, #tpu.memory_space<semaphore_mem>>)
    %dma_start3A_11 = arith.constant 0 : i32
    %dma_start3A_12 = arith.constant 0 : i32
    %dma_start3A_13 = arith.constant 1 : i32
    %dma_start3A_14 = arith.constant 0 : i32
    %dma_start3A_15 = tpu.memref_slice %arg6[%dma_start3A_11, %dma_start3A_12, %dma_start3A_13, %dma_start3A_14] : memref<25x1x8x128xi32, #tpu.memory_space<vmem>> -> memref<1x1x1x128xi32, #tpu.memory_space<vmem>>
    %dma_start3A_16 = tpu.memref_squeeze %dma_start3A_15 : memref<1x1x1x128xi32, #tpu.memory_space<vmem>> -> memref<128xi32, #tpu.memory_space<vmem>>
    %dma_start3A_17 = arith.constant 0 : i32
    %dma_start3A_18 = arith.constant 0 : i32
    %dma_start3A_19 = tpu.memref_slice %arg4[%dma_start3A_17, %dma_start3A_18] : memref<1000000x128xf32, #tpu.memory_space<hbm>> -> memref<1000000x128xf32, #tpu.memory_space<hbm>>
    tpu.enqueue_indirect_dma source(%dma_start3A_19 : memref<1000000x128xf32, #tpu.memory_space<hbm>>) target(%arg8 : memref<128x128xf32, #tpu.memory_space<vmem>>) offsets(%dma_start3A_16 : memref<128xi32, #tpu.memory_space<vmem>>) semaphore(%arg13 : memref<!tpu.dma_semaphore, #tpu.memory_space<semaphore_mem>>)
    %scan3A = arith.constant 0 : i32
    %scan3A_20 = arith.constant 0 : i32
    %scan3A_21 = arith.constant 100 : i32
    %scan3A_22 = arith.addi %scan3A_20, %scan3A_21 : i32
    %scan3A_23 = arith.constant 1 : i32
    scf.for %scan3A_40 = %scan3A_20 to %scan3A_22 step %scan3A_23  : i32 {
      %mul3A_41 = arith.constant 2 : i32
      %mul3A_42 = arith.muli %mul3A_41, %scan3A_40 : i32
      %add3A_43 = arith.constant 1 : i32
      %add3A_44 = arith.addi %mul3A_42, %add3A_43 : i32
      %ge3A = arith.constant 1 : i32
      %ge3A_45 = arith.cmpi sge, %scan3A_40, %ge3A : i32
      %convert_element_type3A = arith.extui %ge3A_45 : i1 to i32
      %cond3A = arith.constant 0 : i32
      %cond3A_46 = arith.cmpi ne, %convert_element_type3A, %cond3A : i32
      scf.if %cond3A_46 {
        %dma_wait3A_88 = arith.constant 0 : i32
        %dma_wait3A_89 = arith.constant 0 : i32
        %dma_wait3A_90 = arith.constant 0 : i32
        %dma_wait3A_91 = tpu.memref_slice %arg5[%dma_wait3A_88, %dma_wait3A_89, %dma_wait3A_90] : memref<201x64x4096xf32, #tpu.memory_space<hbm>> -> memref<1x64x128xf32, #tpu.memory_space<hbm>>
        %dma_wait3A_92 = arith.constant 0 : i32
        %dma_wait3A_93 = arith.constant 0 : i32
        %dma_wait3A_94 = arith.constant 0 : i32
        %dma_wait3A_95 = tpu.memref_slice %arg5[%dma_wait3A_92, %dma_wait3A_93, %dma_wait3A_94] : memref<201x64x4096xf32, #tpu.memory_space<hbm>> -> memref<1x64x128xf32, #tpu.memory_space<hbm>>
        tpu.wait_dma2 semaphore(%arg14 : memref<!tpu.dma_semaphore, #tpu.memory_space<semaphore_mem>>) src(%arg9 : memref<1x64x128xf32, #tpu.memory_space<vmem>>) dst(%dma_wait3A_95 : memref<1x64x128xf32, #tpu.memory_space<hbm>>)
      } else {
      }
      %dma_wait3A_47 = arith.constant 0 : i32
      %dma_wait3A_48 = arith.constant 0 : i32
      %dma_wait3A_49 = tpu.memref_slice %arg4[%dma_wait3A_47, %dma_wait3A_48] : memref<1000000x128xf32, #tpu.memory_space<hbm>> -> memref<128x128xf32, #tpu.memory_space<hbm>>
      %dma_wait3A_50 = arith.constant 0 : i32
      %dma_wait3A_51 = arith.constant 0 : i32
      %dma_wait3A_52 = tpu.memref_slice %arg4[%dma_wait3A_50, %dma_wait3A_51] : memref<1000000x128xf32, #tpu.memory_space<hbm>> -> memref<128x128xf32, #tpu.memory_space<hbm>>
      tpu.wait_dma2 semaphore(%arg12 : memref<!tpu.dma_semaphore, #tpu.memory_space<semaphore_mem>>) src(%dma_wait3A_52 : memref<128x128xf32, #tpu.memory_space<hbm>>) dst(%arg7 : memref<128x128xf32, #tpu.memory_space<vmem>>)
      %parallel_loop3A = arith.constant 0 : i32
      %parallel_loop3A_53 = arith.constant 64 : i32
      %parallel_loop3A_54 = arith.constant 1 : i32
      scf.for %parallel_loop3A_88 = %parallel_loop3A to %parallel_loop3A_53 step %parallel_loop3A_54  : i32 {
        %parallel_loop3A_89 = arith.constant 15 : i32
        %parallel_loop3A_90 = arith.andi %parallel_loop3A_88, %parallel_loop3A_89 : i32
        %parallel_loop3A_91 = vector.broadcast %parallel_loop3A_90 : i32 to vector<16xi32>
        %parallel_loop3A_92 = arith.addi %iota3A, %parallel_loop3A_91 : vector<16xi32>
        %parallel_loop3A_93 = arith.constant 16 : i32
        %parallel_loop3A_94 = arith.constant 0 : i32
        %parallel_loop3A_95 = arith.cmpi eq, %parallel_loop3A_93, %parallel_loop3A_94 : i32
        %parallel_loop3A_96 = arith.constant 1 : i32
        %parallel_loop3A_97 = arith.select %parallel_loop3A_95, %parallel_loop3A_96, %parallel_loop3A_93 : i32
        %parallel_loop3A_98 = vector.broadcast %parallel_loop3A_97 : i32 to vector<16xi32>
        %parallel_loop3A_99 = arith.remsi %parallel_loop3A_92, %parallel_loop3A_98 : vector<16xi32>
        %parallel_loop3A_100 = arith.constant 0 : i32
        %parallel_loop3A_101 = vector.broadcast %parallel_loop3A_100 : i32 to vector<16xi32>
        %parallel_loop3A_102 = arith.cmpi ne, %parallel_loop3A_99, %parallel_loop3A_101 : vector<16xi32>
        %parallel_loop3A_103 = arith.constant 0 : i32
        %parallel_loop3A_104 = vector.broadcast %parallel_loop3A_103 : i32 to vector<16xi32>
        %parallel_loop3A_105 = arith.cmpi slt, %parallel_loop3A_99, %parallel_loop3A_104 : vector<16xi32>
        %parallel_loop3A_106 = arith.constant 0 : i32
        %parallel_loop3A_107 = arith.cmpi slt, %parallel_loop3A_97, %parallel_loop3A_106 : i32
        %parallel_loop3A_108 = vector.broadcast %parallel_loop3A_107 : i1 to vector<16xi1>
        %parallel_loop3A_109 = vector.broadcast %parallel_loop3A_108 : vector<16xi1> to vector<16xi1>
        %parallel_loop3A_110 = arith.xori %parallel_loop3A_105, %parallel_loop3A_109 : vector<16xi1>
        %parallel_loop3A_111 = arith.andi %parallel_loop3A_110, %parallel_loop3A_102 : vector<16xi1>
        %parallel_loop3A_112 = vector.broadcast %parallel_loop3A_97 : i32 to vector<16xi32>
        %parallel_loop3A_113 = arith.addi %parallel_loop3A_99, %parallel_loop3A_112 : vector<16xi32>
        %parallel_loop3A_114 = arith.select %parallel_loop3A_111, %parallel_loop3A_113, %parallel_loop3A_99 : vector<16xi1>, vector<16xi32>
        %parallel_loop3A_115 = arith.constant 4 : i32
        %parallel_loop3A_116 = arith.shrsi %parallel_loop3A_88, %parallel_loop3A_115 : i32
        %parallel_loop3A_117 = arith.constant 4 : i32
        %parallel_loop3A_118 = arith.shli %parallel_loop3A_116, %parallel_loop3A_117 : i32
        %parallel_loop3A_119 = vector.broadcast %parallel_loop3A_118 : i32 to vector<16xi32>
        %parallel_loop3A_120 = arith.addi %parallel_loop3A_114, %parallel_loop3A_119 : vector<16xi32>
        %parallel_loop3A_121 = arith.constant 0 : i32
        %parallel_loop3A_122 = vector.broadcast %parallel_loop3A_121 : i32 to vector<16xi32>
        %parallel_loop3A_123 = arith.addi %iota3A, %parallel_loop3A_122 : vector<16xi32>
        %parallel_loop3A_124 = tpu.vector_load_idx %arg7[%parallel_loop3A_123, %parallel_loop3A_120] : memref<128x128xf32, #tpu.memory_space<vmem>>[vector<16xi32>, vector<16xi32>], vector<16xf32>,
        %parallel_loop3A_125 = arith.constant 0 : i32
        %parallel_loop3A_126 = vector.broadcast %parallel_loop3A_125 : i32 to vector<16xi32>
        tpu.vector_store_idx %arg9[%parallel_loop3A_126, %parallel_loop3A_120, %parallel_loop3A_123], %parallel_loop3A_124 : memref<1x64x128xf32, #tpu.memory_space<vmem>>[vector<16xi32>, vector<16xi32>, vector<16xi32>], vector<16xf32>,
        %parallel_loop3A_127 = arith.constant 16 : i32
        %parallel_loop3A_128 = vector.broadcast %parallel_loop3A_127 : i32 to vector<16xi32>
        %parallel_loop3A_129 = arith.addi %iota3A, %parallel_loop3A_128 : vector<16xi32>
        %parallel_loop3A_130 = tpu.vector_load_idx %arg7[%parallel_loop3A_129, %parallel_loop3A_120] : memref<128x128xf32, #tpu.memory_space<vmem>>[vector<16xi32>, vector<16xi32>], vector<16xf32>,
        %parallel_loop3A_131 = arith.constant 0 : i32
        %parallel_loop3A_132 = vector.broadcast %parallel_loop3A_131 : i32 to vector<16xi32>
        tpu.vector_store_idx %arg9[%parallel_loop3A_132, %parallel_loop3A_120, %parallel_loop3A_129], %parallel_loop3A_130 : memref<1x64x128xf32, #tpu.memory_space<vmem>>[vector<16xi32>, vector<16xi32>, vector<16xi32>], vector<16xf32>,
        %parallel_loop3A_133 = arith.constant 32 : i32
        %parallel_loop3A_134 = vector.broadcast %parallel_loop3A_133 : i32 to vector<16xi32>
        %parallel_loop3A_135 = arith.addi %iota3A, %parallel_loop3A_134 : vector<16xi32>
        %parallel_loop3A_136 = tpu.vector_load_idx %arg7[%parallel_loop3A_135, %parallel_loop3A_120] : memref<128x128xf32, #tpu.memory_space<vmem>>[vector<16xi32>, vector<16xi32>], vector<16xf32>,
        %parallel_loop3A_137 = arith.constant 0 : i32
        %parallel_loop3A_138 = vector.broadcast %parallel_loop3A_137 : i32 to vector<16xi32>
        tpu.vector_store_idx %arg9[%parallel_loop3A_138, %parallel_loop3A_120, %parallel_loop3A_135], %parallel_loop3A_136 : memref<1x64x128xf32, #tpu.memory_space<vmem>>[vector<16xi32>, vector<16xi32>, vector<16xi32>], vector<16xf32>,
        %parallel_loop3A_139 = arith.constant 48 : i32
        %parallel_loop3A_140 = vector.broadcast %parallel_loop3A_139 : i32 to vector<16xi32>
        %parallel_loop3A_141 = arith.addi %iota3A, %parallel_loop3A_140 : vector<16xi32>
        %parallel_loop3A_142 = tpu.vector_load_idx %arg7[%parallel_loop3A_141, %parallel_loop3A_120] : memref<128x128xf32, #tpu.memory_space<vmem>>[vector<16xi32>, vector<16xi32>], vector<16xf32>,
        %parallel_loop3A_143 = arith.constant 0 : i32
        %parallel_loop3A_144 = vector.broadcast %parallel_loop3A_143 : i32 to vector<16xi32>
        tpu.vector_store_idx %arg9[%parallel_loop3A_144, %parallel_loop3A_120, %parallel_loop3A_141], %parallel_loop3A_142 : memref<1x64x128xf32, #tpu.memory_space<vmem>>[vector<16xi32>, vector<16xi32>, vector<16xi32>], vector<16xf32>,
        %parallel_loop3A_145 = arith.constant 64 : i32
        %parallel_loop3A_146 = vector.broadcast %parallel_loop3A_145 : i32 to vector<16xi32>
        %parallel_loop3A_147 = arith.addi %iota3A, %parallel_loop3A_146 : vector<16xi32>
        %parallel_loop3A_148 = tpu.vector_load_idx %arg7[%parallel_loop3A_147, %parallel_loop3A_120] : memref<128x128xf32, #tpu.memory_space<vmem>>[vector<16xi32>, vector<16xi32>], vector<16xf32>,
        %parallel_loop3A_149 = arith.constant 0 : i32
        %parallel_loop3A_150 = vector.broadcast %parallel_loop3A_149 : i32 to vector<16xi32>
        tpu.vector_store_idx %arg9[%parallel_loop3A_150, %parallel_loop3A_120, %parallel_loop3A_147], %parallel_loop3A_148 : memref<1x64x128xf32, #tpu.memory_space<vmem>>[vector<16xi32>, vector<16xi32>, vector<16xi32>], vector<16xf32>,
        %parallel_loop3A_151 = arith.constant 80 : i32
        %parallel_loop3A_152 = vector.broadcast %parallel_loop3A_151 : i32 to vector<16xi32>
        %parallel_loop3A_153 = arith.addi %iota3A, %parallel_loop3A_152 : vector<16xi32>
        %parallel_loop3A_154 = tpu.vector_load_idx %arg7[%parallel_loop3A_153, %parallel_loop3A_120] : memref<128x128xf32, #tpu.memory_space<vmem>>[vector<16xi32>, vector<16xi32>], vector<16xf32>,
        %parallel_loop3A_155 = arith.constant 0 : i32
        %parallel_loop3A_156 = vector.broadcast %parallel_loop3A_155 : i32 to vector<16xi32>
        tpu.vector_store_idx %arg9[%parallel_loop3A_156, %parallel_loop3A_120, %parallel_loop3A_153], %parallel_loop3A_154 : memref<1x64x128xf32, #tpu.memory_space<vmem>>[vector<16xi32>, vector<16xi32>, vector<16xi32>], vector<16xf32>,
        %parallel_loop3A_157 = arith.constant 96 : i32
        %parallel_loop3A_158 = vector.broadcast %parallel_loop3A_157 : i32 to vector<16xi32>
        %parallel_loop3A_159 = arith.addi %iota3A, %parallel_loop3A_158 : vector<16xi32>
        %parallel_loop3A_160 = tpu.vector_load_idx %arg7[%parallel_loop3A_159, %parallel_loop3A_120] : memref<128x128xf32, #tpu.memory_space<vmem>>[vector<16xi32>, vector<16xi32>], vector<16xf32>,
        %parallel_loop3A_161 = arith.constant 0 : i32
        %parallel_loop3A_162 = vector.broadcast %parallel_loop3A_161 : i32 to vector<16xi32>
        tpu.vector_store_idx %arg9[%parallel_loop3A_162, %parallel_loop3A_120, %parallel_loop3A_159], %parallel_loop3A_160 : memref<1x64x128xf32, #tpu.memory_space<vmem>>[vector<16xi32>, vector<16xi32>, vector<16xi32>], vector<16xf32>,
        %parallel_loop3A_163 = arith.constant 112 : i32
        %parallel_loop3A_164 = vector.broadcast %parallel_loop3A_163 : i32 to vector<16xi32>
        %parallel_loop3A_165 = arith.addi %iota3A, %parallel_loop3A_164 : vector<16xi32>
        %parallel_loop3A_166 = tpu.vector_load_idx %arg7[%parallel_loop3A_165, %parallel_loop3A_120] : memref<128x128xf32, #tpu.memory_space<vmem>>[vector<16xi32>, vector<16xi32>], vector<16xf32>,
        %parallel_loop3A_167 = arith.constant 0 : i32
        %parallel_loop3A_168 = vector.broadcast %parallel_loop3A_167 : i32 to vector<16xi32>
        tpu.vector_store_idx %arg9[%parallel_loop3A_168, %parallel_loop3A_120, %parallel_loop3A_165], %parallel_loop3A_166 : memref<1x64x128xf32, #tpu.memory_space<vmem>>[vector<16xi32>, vector<16xi32>, vector<16xi32>], vector<16xf32>,
      } {sc.loop_unroll_factor = 2 : i64, sc.parallel_access}
      %dma_start3A_55 = arith.constant 0 : i32
      %dma_start3A_56 = tpu.memref_slice %arg5[%add3A_44, %dma_start3A_55, %mul3A_2] : memref<201x64x4096xf32, #tpu.memory_space<hbm>> -> memref<1x64x128xf32, #tpu.memory_space<hbm>>
      %dma_start3A_57 = arith.constant 0 : i32
      %dma_start3A_58 = tpu.memref_slice %arg5[%add3A_44, %dma_start3A_57, %mul3A_2] : memref<201x64x4096xf32, #tpu.memory_space<hbm>> -> memref<1x64x128xf32, #tpu.memory_space<hbm>>
      tpu.enqueue_dma source(%arg9 : memref<1x64x128xf32, #tpu.memory_space<vmem>>) target(%dma_start3A_58 : memref<1x64x128xf32, #tpu.memory_space<hbm>>) target_semaphore(%arg14 : memref<!tpu.dma_semaphore, #tpu.memory_space<semaphore_mem>>)
      %le3A = arith.constant 98 : i32
      %le3A_59 = arith.cmpi sle, %scan3A_40, %le3A : i32
      %convert_element_type3A_60 = arith.extui %le3A_59 : i1 to i32
      %cond3A_61 = arith.constant 0 : i32
      %cond3A_62 = arith.cmpi ne, %convert_element_type3A_60, %cond3A_61 : i32
      scf.if %cond3A_62 {
        %add3A_88 = arith.constant 2 : i32
        %add3A_89 = arith.addi %add3A_44, %add3A_88 : i32
        %sub3A = arith.constant 1 : i32
        %sub3A_90 = arith.subi %add3A_89, %sub3A : i32
        %jit3A = arith.constant 8 : i32
        %div3A = arith.divsi %sub3A_90, %jit3A : i32
        %sign3A = arith.constant 0 : i32
        %sign3A_91 = arith.cmpi sgt, %sub3A_90, %sign3A : i32
        %sign3A_92 = arith.extui %sign3A_91 : i1 to i32
        %sign3A_93 = arith.constant 0 : i32
        %sign3A_94 = arith.cmpi slt, %sub3A_90, %sign3A_93 : i32
        %sign3A_95 = arith.extui %sign3A_94 : i1 to i32
        %sign3A_96 = arith.subi %sign3A_92, %sign3A_95 : i32
        %sign3A_97 = arith.constant 0 : i32
        %sign3A_98 = arith.cmpi sgt, %jit3A, %sign3A_97 : i32
        %sign3A_99 = arith.extui %sign3A_98 : i1 to i32
        %sign3A_100 = arith.constant 0 : i32
        %sign3A_101 = arith.cmpi slt, %jit3A, %sign3A_100 : i32
        %sign3A_102 = arith.extui %sign3A_101 : i1 to i32
        %sign3A_103 = arith.subi %sign3A_99, %sign3A_102 : i32
        %ne3A = arith.cmpi ne, %sign3A_96, %sign3A_103 : i32
        %rem3A = arith.remsi %sub3A_90, %jit3A : i32
        %ne3A_104 = arith.constant 0 : i32
        %ne3A_105 = arith.cmpi ne, %rem3A, %ne3A_104 : i32
        %and3A = arith.andi %ne3A, %ne3A_105 : i1
        %sub3A_106 = arith.constant 1 : i32
        %sub3A_107 = arith.subi %div3A, %sub3A_106 : i32
        %select_n3A = arith.select %and3A, %sub3A_107, %div3A : i32
        %jit3A_108 = arith.constant 8 : i32
        %eq3A = arith.constant 0 : i32
        %eq3A_109 = arith.cmpi eq, %jit3A_108, %eq3A : i32
        %jit3A_110 = arith.constant 1 : i32
        %select_n3A_111 = arith.select %eq3A_109, %jit3A_110, %jit3A_108 : i32
        %rem3A_112 = arith.remsi %sub3A_90, %select_n3A_111 : i32
        %ne3A_113 = arith.constant 0 : i32
        %ne3A_114 = arith.cmpi ne, %rem3A_112, %ne3A_113 : i32
        %lt3A = arith.constant 0 : i32
        %lt3A_115 = arith.cmpi slt, %rem3A_112, %lt3A : i32
        %lt3A_116 = arith.constant 0 : i32
        %lt3A_117 = arith.cmpi slt, %select_n3A_111, %lt3A_116 : i32
        %ne3A_118 = arith.xori %lt3A_115, %lt3A_117 : i1
        %and3A_119 = arith.andi %ne3A_118, %ne3A_114 : i1
        %add3A_120 = arith.addi %rem3A_112, %select_n3A_111 : i32
        %select_n3A_121 = arith.select %and3A_119, %add3A_120, %rem3A_112 : i32
        %dma_start3A_122 = arith.constant 0 : i32
        %dma_start3A_123 = arith.constant 0 : i32
        %dma_start3A_124 = tpu.memref_slice %arg6[%select_n3A, %dma_start3A_122, %select_n3A_121, %dma_start3A_123] : memref<25x1x8x128xi32, #tpu.memory_space<vmem>> -> memref<1x1x1x128xi32, #tpu.memory_space<vmem>>
        %dma_start3A_125 = tpu.memref_squeeze %dma_start3A_124 : memref<1x1x1x128xi32, #tpu.memory_space<vmem>> -> memref<128xi32, #tpu.memory_space<vmem>>
        %dma_start3A_126 = arith.constant 0 : i32
        %dma_start3A_127 = arith.constant 0 : i32
        %dma_start3A_128 = tpu.memref_slice %arg4[%dma_start3A_126, %dma_start3A_127] : memref<1000000x128xf32, #tpu.memory_space<hbm>> -> memref<1000000x128xf32, #tpu.memory_space<hbm>>
        tpu.enqueue_indirect_dma source(%dma_start3A_128 : memref<1000000x128xf32, #tpu.memory_space<hbm>>) target(%arg7 : memref<128x128xf32, #tpu.memory_space<vmem>>) offsets(%dma_start3A_125 : memref<128xi32, #tpu.memory_space<vmem>>) semaphore(%arg12 : memref<!tpu.dma_semaphore, #tpu.memory_space<semaphore_mem>>)
      } else {
      }
      %ge3A_63 = arith.constant 1 : i32
      %ge3A_64 = arith.cmpi sge, %scan3A_40, %ge3A_63 : i32
      %convert_element_type3A_65 = arith.extui %ge3A_64 : i1 to i32
      %cond3A_66 = arith.constant 0 : i32
      %cond3A_67 = arith.cmpi ne, %convert_element_type3A_65, %cond3A_66 : i32
      scf.if %cond3A_67 {
        %dma_wait3A_88 = arith.constant 0 : i32
        %dma_wait3A_89 = arith.constant 0 : i32
        %dma_wait3A_90 = arith.constant 0 : i32
        %dma_wait3A_91 = tpu.memref_slice %arg5[%dma_wait3A_88, %dma_wait3A_89, %dma_wait3A_90] : memref<201x64x4096xf32, #tpu.memory_space<hbm>> -> memref<1x64x128xf32, #tpu.memory_space<hbm>>
        %dma_wait3A_92 = arith.constant 0 : i32
        %dma_wait3A_93 = arith.constant 0 : i32
        %dma_wait3A_94 = arith.constant 0 : i32
        %dma_wait3A_95 = tpu.memref_slice %arg5[%dma_wait3A_92, %dma_wait3A_93, %dma_wait3A_94] : memref<201x64x4096xf32, #tpu.memory_space<hbm>> -> memref<1x64x128xf32, #tpu.memory_space<hbm>>
        tpu.wait_dma2 semaphore(%arg14 : memref<!tpu.dma_semaphore, #tpu.memory_space<semaphore_mem>>) src(%arg9 : memref<1x64x128xf32, #tpu.memory_space<vmem>>) dst(%dma_wait3A_95 : memref<1x64x128xf32, #tpu.memory_space<hbm>>)
      } else {
      }
      %dma_wait3A_68 = arith.constant 0 : i32
      %dma_wait3A_69 = arith.constant 0 : i32
      %dma_wait3A_70 = tpu.memref_slice %arg4[%dma_wait3A_68, %dma_wait3A_69] : memref<1000000x128xf32, #tpu.memory_space<hbm>> -> memref<128x128xf32, #tpu.memory_space<hbm>>
      %dma_wait3A_71 = arith.constant 0 : i32
      %dma_wait3A_72 = arith.constant 0 : i32
      %dma_wait3A_73 = tpu.memref_slice %arg4[%dma_wait3A_71, %dma_wait3A_72] : memref<1000000x128xf32, #tpu.memory_space<hbm>> -> memref<128x128xf32, #tpu.memory_space<hbm>>
      tpu.wait_dma2 semaphore(%arg13 : memref<!tpu.dma_semaphore, #tpu.memory_space<semaphore_mem>>) src(%dma_wait3A_73 : memref<128x128xf32, #tpu.memory_space<hbm>>) dst(%arg8 : memref<128x128xf32, #tpu.memory_space<vmem>>)
      %add3A_74 = arith.constant 1 : i32
      %add3A_75 = arith.addi %add3A_44, %add3A_74 : i32
      %parallel_loop3A_76 = arith.constant 0 : i32
      %parallel_loop3A_77 = arith.constant 64 : i32
      %parallel_loop3A_78 = arith.constant 1 : i32
      scf.for %parallel_loop3A_88 = %parallel_loop3A_76 to %parallel_loop3A_77 step %parallel_loop3A_78  : i32 {
        %parallel_loop3A_89 = arith.constant 15 : i32
        %parallel_loop3A_90 = arith.andi %parallel_loop3A_88, %parallel_loop3A_89 : i32
        %parallel_loop3A_91 = vector.broadcast %parallel_loop3A_90 : i32 to vector<16xi32>
        %parallel_loop3A_92 = arith.addi %iota3A, %parallel_loop3A_91 : vector<16xi32>
        %parallel_loop3A_93 = arith.constant 16 : i32
        %parallel_loop3A_94 = arith.constant 0 : i32
        %parallel_loop3A_95 = arith.cmpi eq, %parallel_loop3A_93, %parallel_loop3A_94 : i32
        %parallel_loop3A_96 = arith.constant 1 : i32
        %parallel_loop3A_97 = arith.select %parallel_loop3A_95, %parallel_loop3A_96, %parallel_loop3A_93 : i32
        %parallel_loop3A_98 = vector.broadcast %parallel_loop3A_97 : i32 to vector<16xi32>
        %parallel_loop3A_99 = arith.remsi %parallel_loop3A_92, %parallel_loop3A_98 : vector<16xi32>
        %parallel_loop3A_100 = arith.constant 0 : i32
        %parallel_loop3A_101 = vector.broadcast %parallel_loop3A_100 : i32 to vector<16xi32>
        %parallel_loop3A_102 = arith.cmpi ne, %parallel_loop3A_99, %parallel_loop3A_101 : vector<16xi32>
        %parallel_loop3A_103 = arith.constant 0 : i32
        %parallel_loop3A_104 = vector.broadcast %parallel_loop3A_103 : i32 to vector<16xi32>
        %parallel_loop3A_105 = arith.cmpi slt, %parallel_loop3A_99, %parallel_loop3A_104 : vector<16xi32>
        %parallel_loop3A_106 = arith.constant 0 : i32
        %parallel_loop3A_107 = arith.cmpi slt, %parallel_loop3A_97, %parallel_loop3A_106 : i32
        %parallel_loop3A_108 = vector.broadcast %parallel_loop3A_107 : i1 to vector<16xi1>
        %parallel_loop3A_109 = vector.broadcast %parallel_loop3A_108 : vector<16xi1> to vector<16xi1>
        %parallel_loop3A_110 = arith.xori %parallel_loop3A_105, %parallel_loop3A_109 : vector<16xi1>
        %parallel_loop3A_111 = arith.andi %parallel_loop3A_110, %parallel_loop3A_102 : vector<16xi1>
        %parallel_loop3A_112 = vector.broadcast %parallel_loop3A_97 : i32 to vector<16xi32>
        %parallel_loop3A_113 = arith.addi %parallel_loop3A_99, %parallel_loop3A_112 : vector<16xi32>
        %parallel_loop3A_114 = arith.select %parallel_loop3A_111, %parallel_loop3A_113, %parallel_loop3A_99 : vector<16xi1>, vector<16xi32>
        %parallel_loop3A_115 = arith.constant 4 : i32
        %parallel_loop3A_116 = arith.shrsi %parallel_loop3A_88, %parallel_loop3A_115 : i32
        %parallel_loop3A_117 = arith.constant 4 : i32
        %parallel_loop3A_118 = arith.shli %parallel_loop3A_116, %parallel_loop3A_117 : i32
        %parallel_loop3A_119 = vector.broadcast %parallel_loop3A_118 : i32 to vector<16xi32>
        %parallel_loop3A_120 = arith.addi %parallel_loop3A_114, %parallel_loop3A_119 : vector<16xi32>
        %parallel_loop3A_121 = arith.constant 0 : i32
        %parallel_loop3A_122 = vector.broadcast %parallel_loop3A_121 : i32 to vector<16xi32>
        %parallel_loop3A_123 = arith.addi %iota3A, %parallel_loop3A_122 : vector<16xi32>
        %parallel_loop3A_124 = tpu.vector_load_idx %arg8[%parallel_loop3A_123, %parallel_loop3A_120] : memref<128x128xf32, #tpu.memory_space<vmem>>[vector<16xi32>, vector<16xi32>], vector<16xf32>,
        %parallel_loop3A_125 = arith.constant 0 : i32
        %parallel_loop3A_126 = vector.broadcast %parallel_loop3A_125 : i32 to vector<16xi32>
        tpu.vector_store_idx %arg10[%parallel_loop3A_126, %parallel_loop3A_120, %parallel_loop3A_123], %parallel_loop3A_124 : memref<1x64x128xf32, #tpu.memory_space<vmem>>[vector<16xi32>, vector<16xi32>, vector<16xi32>], vector<16xf32>,
        %parallel_loop3A_127 = arith.constant 16 : i32
        %parallel_loop3A_128 = vector.broadcast %parallel_loop3A_127 : i32 to vector<16xi32>
        %parallel_loop3A_129 = arith.addi %iota3A, %parallel_loop3A_128 : vector<16xi32>
        %parallel_loop3A_130 = tpu.vector_load_idx %arg8[%parallel_loop3A_129, %parallel_loop3A_120] : memref<128x128xf32, #tpu.memory_space<vmem>>[vector<16xi32>, vector<16xi32>], vector<16xf32>,
        %parallel_loop3A_131 = arith.constant 0 : i32
        %parallel_loop3A_132 = vector.broadcast %parallel_loop3A_131 : i32 to vector<16xi32>
        tpu.vector_store_idx %arg10[%parallel_loop3A_132, %parallel_loop3A_120, %parallel_loop3A_129], %parallel_loop3A_130 : memref<1x64x128xf32, #tpu.memory_space<vmem>>[vector<16xi32>, vector<16xi32>, vector<16xi32>], vector<16xf32>,
        %parallel_loop3A_133 = arith.constant 32 : i32
        %parallel_loop3A_134 = vector.broadcast %parallel_loop3A_133 : i32 to vector<16xi32>
        %parallel_loop3A_135 = arith.addi %iota3A, %parallel_loop3A_134 : vector<16xi32>
        %parallel_loop3A_136 = tpu.vector_load_idx %arg8[%parallel_loop3A_135, %parallel_loop3A_120] : memref<128x128xf32, #tpu.memory_space<vmem>>[vector<16xi32>, vector<16xi32>], vector<16xf32>,
        %parallel_loop3A_137 = arith.constant 0 : i32
        %parallel_loop3A_138 = vector.broadcast %parallel_loop3A_137 : i32 to vector<16xi32>
        tpu.vector_store_idx %arg10[%parallel_loop3A_138, %parallel_loop3A_120, %parallel_loop3A_135], %parallel_loop3A_136 : memref<1x64x128xf32, #tpu.memory_space<vmem>>[vector<16xi32>, vector<16xi32>, vector<16xi32>], vector<16xf32>,
        %parallel_loop3A_139 = arith.constant 48 : i32
        %parallel_loop3A_140 = vector.broadcast %parallel_loop3A_139 : i32 to vector<16xi32>
        %parallel_loop3A_141 = arith.addi %iota3A, %parallel_loop3A_140 : vector<16xi32>
        %parallel_loop3A_142 = tpu.vector_load_idx %arg8[%parallel_loop3A_141, %parallel_loop3A_120] : memref<128x128xf32, #tpu.memory_space<vmem>>[vector<16xi32>, vector<16xi32>], vector<16xf32>,
        %parallel_loop3A_143 = arith.constant 0 : i32
        %parallel_loop3A_144 = vector.broadcast %parallel_loop3A_143 : i32 to vector<16xi32>
        tpu.vector_store_idx %arg10[%parallel_loop3A_144, %parallel_loop3A_120, %parallel_loop3A_141], %parallel_loop3A_142 : memref<1x64x128xf32, #tpu.memory_space<vmem>>[vector<16xi32>, vector<16xi32>, vector<16xi32>], vector<16xf32>,
        %parallel_loop3A_145 = arith.constant 64 : i32
        %parallel_loop3A_146 = vector.broadcast %parallel_loop3A_145 : i32 to vector<16xi32>
        %parallel_loop3A_147 = arith.addi %iota3A, %parallel_loop3A_146 : vector<16xi32>
        %parallel_loop3A_148 = tpu.vector_load_idx %arg8[%parallel_loop3A_147, %parallel_loop3A_120] : memref<128x128xf32, #tpu.memory_space<vmem>>[vector<16xi32>, vector<16xi32>], vector<16xf32>,
        %parallel_loop3A_149 = arith.constant 0 : i32
        %parallel_loop3A_150 = vector.broadcast %parallel_loop3A_149 : i32 to vector<16xi32>
        tpu.vector_store_idx %arg10[%parallel_loop3A_150, %parallel_loop3A_120, %parallel_loop3A_147], %parallel_loop3A_148 : memref<1x64x128xf32, #tpu.memory_space<vmem>>[vector<16xi32>, vector<16xi32>, vector<16xi32>], vector<16xf32>,
        %parallel_loop3A_151 = arith.constant 80 : i32
        %parallel_loop3A_152 = vector.broadcast %parallel_loop3A_151 : i32 to vector<16xi32>
        %parallel_loop3A_153 = arith.addi %iota3A, %parallel_loop3A_152 : vector<16xi32>
        %parallel_loop3A_154 = tpu.vector_load_idx %arg8[%parallel_loop3A_153, %parallel_loop3A_120] : memref<128x128xf32, #tpu.memory_space<vmem>>[vector<16xi32>, vector<16xi32>], vector<16xf32>,
        %parallel_loop3A_155 = arith.constant 0 : i32
        %parallel_loop3A_156 = vector.broadcast %parallel_loop3A_155 : i32 to vector<16xi32>
        tpu.vector_store_idx %arg10[%parallel_loop3A_156, %parallel_loop3A_120, %parallel_loop3A_153], %parallel_loop3A_154 : memref<1x64x128xf32, #tpu.memory_space<vmem>>[vector<16xi32>, vector<16xi32>, vector<16xi32>], vector<16xf32>,
        %parallel_loop3A_157 = arith.constant 96 : i32
        %parallel_loop3A_158 = vector.broadcast %parallel_loop3A_157 : i32 to vector<16xi32>
        %parallel_loop3A_159 = arith.addi %iota3A, %parallel_loop3A_158 : vector<16xi32>
        %parallel_loop3A_160 = tpu.vector_load_idx %arg8[%parallel_loop3A_159, %parallel_loop3A_120] : memref<128x128xf32, #tpu.memory_space<vmem>>[vector<16xi32>, vector<16xi32>], vector<16xf32>,
        %parallel_loop3A_161 = arith.constant 0 : i32
        %parallel_loop3A_162 = vector.broadcast %parallel_loop3A_161 : i32 to vector<16xi32>
        tpu.vector_store_idx %arg10[%parallel_loop3A_162, %parallel_loop3A_120, %parallel_loop3A_159], %parallel_loop3A_160 : memref<1x64x128xf32, #tpu.memory_space<vmem>>[vector<16xi32>, vector<16xi32>, vector<16xi32>], vector<16xf32>,
        %parallel_loop3A_163 = arith.constant 112 : i32
        %parallel_loop3A_164 = vector.broadcast %parallel_loop3A_163 : i32 to vector<16xi32>
        %parallel_loop3A_165 = arith.addi %iota3A, %parallel_loop3A_164 : vector<16xi32>
        %parallel_loop3A_166 = tpu.vector_load_idx %arg8[%parallel_loop3A_165, %parallel_loop3A_120] : memref<128x128xf32, #tpu.memory_space<vmem>>[vector<16xi32>, vector<16xi32>], vector<16xf32>,
        %parallel_loop3A_167 = arith.constant 0 : i32
        %parallel_loop3A_168 = vector.broadcast %parallel_loop3A_167 : i32 to vector<16xi32>
        tpu.vector_store_idx %arg10[%parallel_loop3A_168, %parallel_loop3A_120, %parallel_loop3A_165], %parallel_loop3A_166 : memref<1x64x128xf32, #tpu.memory_space<vmem>>[vector<16xi32>, vector<16xi32>, vector<16xi32>], vector<16xf32>,
      } {sc.loop_unroll_factor = 2 : i64, sc.parallel_access}
      %dma_start3A_79 = arith.constant 0 : i32
      %dma_start3A_80 = tpu.memref_slice %arg5[%add3A_75, %dma_start3A_79, %mul3A_2] : memref<201x64x4096xf32, #tpu.memory_space<hbm>> -> memref<1x64x128xf32, #tpu.memory_space<hbm>>
      %dma_start3A_81 = arith.constant 0 : i32
      %dma_start3A_82 = tpu.memref_slice %arg5[%add3A_75, %dma_start3A_81, %mul3A_2] : memref<201x64x4096xf32, #tpu.memory_space<hbm>> -> memref<1x64x128xf32, #tpu.memory_space<hbm>>
      tpu.enqueue_dma source(%arg10 : memref<1x64x128xf32, #tpu.memory_space<vmem>>) target(%dma_start3A_82 : memref<1x64x128xf32, #tpu.memory_space<hbm>>) target_semaphore(%arg14 : memref<!tpu.dma_semaphore, #tpu.memory_space<semaphore_mem>>)
      %le3A_83 = arith.constant 98 : i32
      %le3A_84 = arith.cmpi sle, %scan3A_40, %le3A_83 : i32
      %convert_element_type3A_85 = arith.extui %le3A_84 : i1 to i32
      %cond3A_86 = arith.constant 0 : i32
      %cond3A_87 = arith.cmpi ne, %convert_element_type3A_85, %cond3A_86 : i32
      scf.if %cond3A_87 {
        %add3A_88 = arith.constant 3 : i32
        %add3A_89 = arith.addi %add3A_44, %add3A_88 : i32
        %sub3A = arith.constant 1 : i32
        %sub3A_90 = arith.subi %add3A_89, %sub3A : i32
        %jit3A = arith.constant 8 : i32
        %div3A = arith.divsi %sub3A_90, %jit3A : i32
        %sign3A = arith.constant 0 : i32
        %sign3A_91 = arith.cmpi sgt, %sub3A_90, %sign3A : i32
        %sign3A_92 = arith.extui %sign3A_91 : i1 to i32
        %sign3A_93 = arith.constant 0 : i32
        %sign3A_94 = arith.cmpi slt, %sub3A_90, %sign3A_93 : i32
        %sign3A_95 = arith.extui %sign3A_94 : i1 to i32
        %sign3A_96 = arith.subi %sign3A_92, %sign3A_95 : i32
        %sign3A_97 = arith.constant 0 : i32
        %sign3A_98 = arith.cmpi sgt, %jit3A, %sign3A_97 : i32
        %sign3A_99 = arith.extui %sign3A_98 : i1 to i32
        %sign3A_100 = arith.constant 0 : i32
        %sign3A_101 = arith.cmpi slt, %jit3A, %sign3A_100 : i32
        %sign3A_102 = arith.extui %sign3A_101 : i1 to i32
        %sign3A_103 = arith.subi %sign3A_99, %sign3A_102 : i32
        %ne3A = arith.cmpi ne, %sign3A_96, %sign3A_103 : i32
        %rem3A = arith.remsi %sub3A_90, %jit3A : i32
        %ne3A_104 = arith.constant 0 : i32
        %ne3A_105 = arith.cmpi ne, %rem3A, %ne3A_104 : i32
        %and3A = arith.andi %ne3A, %ne3A_105 : i1
        %sub3A_106 = arith.constant 1 : i32
        %sub3A_107 = arith.subi %div3A, %sub3A_106 : i32
        %select_n3A = arith.select %and3A, %sub3A_107, %div3A : i32
        %jit3A_108 = arith.constant 8 : i32
        %eq3A = arith.constant 0 : i32
        %eq3A_109 = arith.cmpi eq, %jit3A_108, %eq3A : i32
        %jit3A_110 = arith.constant 1 : i32
        %select_n3A_111 = arith.select %eq3A_109, %jit3A_110, %jit3A_108 : i32
        %rem3A_112 = arith.remsi %sub3A_90, %select_n3A_111 : i32
        %ne3A_113 = arith.constant 0 : i32
        %ne3A_114 = arith.cmpi ne, %rem3A_112, %ne3A_113 : i32
        %lt3A = arith.constant 0 : i32
        %lt3A_115 = arith.cmpi slt, %rem3A_112, %lt3A : i32
        %lt3A_116 = arith.constant 0 : i32
        %lt3A_117 = arith.cmpi slt, %select_n3A_111, %lt3A_116 : i32
        %ne3A_118 = arith.xori %lt3A_115, %lt3A_117 : i1
        %and3A_119 = arith.andi %ne3A_118, %ne3A_114 : i1
        %add3A_120 = arith.addi %rem3A_112, %select_n3A_111 : i32
        %select_n3A_121 = arith.select %and3A_119, %add3A_120, %rem3A_112 : i32
        %dma_start3A_122 = arith.constant 0 : i32
        %dma_start3A_123 = arith.constant 0 : i32
        %dma_start3A_124 = tpu.memref_slice %arg6[%select_n3A, %dma_start3A_122, %select_n3A_121, %dma_start3A_123] : memref<25x1x8x128xi32, #tpu.memory_space<vmem>> -> memref<1x1x1x128xi32, #tpu.memory_space<vmem>>
        %dma_start3A_125 = tpu.memref_squeeze %dma_start3A_124 : memref<1x1x1x128xi32, #tpu.memory_space<vmem>> -> memref<128xi32, #tpu.memory_space<vmem>>
        %dma_start3A_126 = arith.constant 0 : i32
        %dma_start3A_127 = arith.constant 0 : i32
        %dma_start3A_128 = tpu.memref_slice %arg4[%dma_start3A_126, %dma_start3A_127] : memref<1000000x128xf32, #tpu.memory_space<hbm>> -> memref<1000000x128xf32, #tpu.memory_space<hbm>>
        tpu.enqueue_indirect_dma source(%dma_start3A_128 : memref<1000000x128xf32, #tpu.memory_space<hbm>>) target(%arg8 : memref<128x128xf32, #tpu.memory_space<vmem>>) offsets(%dma_start3A_125 : memref<128xi32, #tpu.memory_space<vmem>>) semaphore(%arg13 : memref<!tpu.dma_semaphore, #tpu.memory_space<semaphore_mem>>)
      } else {
      }
    }
    %scan3A_24 = arith.constant 100 : i32
    %dma_wait3A = arith.constant 0 : i32
    %dma_wait3A_25 = arith.constant 0 : i32
    %dma_wait3A_26 = arith.constant 0 : i32
    %dma_wait3A_27 = tpu.memref_slice %arg5[%dma_wait3A, %dma_wait3A_25, %dma_wait3A_26] : memref<201x64x4096xf32, #tpu.memory_space<hbm>> -> memref<1x64x128xf32, #tpu.memory_space<hbm>>
    %dma_wait3A_28 = arith.constant 0 : i32
    %dma_wait3A_29 = arith.constant 0 : i32
    %dma_wait3A_30 = arith.constant 0 : i32
    %dma_wait3A_31 = tpu.memref_slice %arg5[%dma_wait3A_28, %dma_wait3A_29, %dma_wait3A_30] : memref<201x64x4096xf32, #tpu.memory_space<hbm>> -> memref<1x64x128xf32, #tpu.memory_space<hbm>>
    tpu.wait_dma2 semaphore(%arg14 : memref<!tpu.dma_semaphore, #tpu.memory_space<semaphore_mem>>) src(%arg9 : memref<1x64x128xf32, #tpu.memory_space<vmem>>) dst(%dma_wait3A_31 : memref<1x64x128xf32, #tpu.memory_space<hbm>>)
    %dma_wait3A_32 = arith.constant 0 : i32
    %dma_wait3A_33 = arith.constant 0 : i32
    %dma_wait3A_34 = arith.constant 0 : i32
    %dma_wait3A_35 = tpu.memref_slice %arg5[%dma_wait3A_32, %dma_wait3A_33, %dma_wait3A_34] : memref<201x64x4096xf32, #tpu.memory_space<hbm>> -> memref<1x64x128xf32, #tpu.memory_space<hbm>>
    %dma_wait3A_36 = arith.constant 0 : i32
    %dma_wait3A_37 = arith.constant 0 : i32
    %dma_wait3A_38 = arith.constant 0 : i32
    %dma_wait3A_39 = tpu.memref_slice %arg5[%dma_wait3A_36, %dma_wait3A_37, %dma_wait3A_38] : memref<201x64x4096xf32, #tpu.memory_space<hbm>> -> memref<1x64x128xf32, #tpu.memory_space<hbm>>
    tpu.wait_dma2 semaphore(%arg14 : memref<!tpu.dma_semaphore, #tpu.memory_space<semaphore_mem>>) src(%arg9 : memref<1x64x128xf32, #tpu.memory_space<vmem>>) dst(%dma_wait3A_39 : memref<1x64x128xf32, #tpu.memory_space<hbm>>)
    return
  }
}

module attributes {stable_mosaic.version = 14 : i64} {
  func.func @_tc_body(%arg0: i32, %arg1: memref<1x512xf32, #tpu.memory_space<vmem>>, %arg2: memref<512x128xf32, #tpu.memory_space<vmem>>, %arg3: memref<64x128xf32, #tpu.memory_space<vmem>>, %arg4: memref<64x512xf32, #tpu.memory_space<vmem>>, %arg5: memref<64x512xf32, #tpu.memory_space<vmem>>) attributes {dimension_semantics = [#tpu.dimension_semantics<arbitrary>], iteration_bounds = array<i64: 8>, scalar_prefetch = 0 : i64, scratch_operands = 0 : i64, tpu.core_type = #tpu.core_type<tc>, window_params = [{transform_indices = @transform_0, window_bounds = array<i64: 1, 512>}, {transform_indices = @transform_1, window_bounds = array<i64: 512, 128>}, {pipeline_mode = #tpu.pipeline_mode<synchronous>, transform_indices = @transform_2, window_bounds = array<i64: 64, 128>}, {transform_indices = @transform_3, window_bounds = array<i64: 64, 512>}, {transform_indices = @transform_4, window_bounds = array<i64: 64, 512>}]} {
    %get3A = arith.constant 0 : index
    %get3A_0 = arith.constant 0 : index
    %get3A_1 = vector.load %arg1[%get3A, %get3A_0] : memref<1x512xf32, #tpu.memory_space<vmem>>, vector<1x512xf32>
    %iota3A = tpu.iota {dimensions = array<i32: 0>} : vector<64x512xi32>
    %lt3A = arith.constant 32 : i32
    %lt3A_2 = vector.broadcast %lt3A : i32 to vector<64x512xi32>
    %lt3A_3 = arith.cmpi slt, %iota3A, %lt3A_2 : vector<64x512xi32>
    %sub3A = arith.constant 32 : i32
    %sub3A_4 = vector.broadcast %sub3A : i32 to vector<64x512xi32>
    %sub3A_5 = arith.subi %iota3A, %sub3A_4 : vector<64x512xi32>
    %select_n3A = arith.select %lt3A_3, %iota3A, %sub3A_5 : vector<64x512xi1>, vector<64x512xi32>
    %convert_element_type3A = arith.sitofp %select_n3A : vector<64x512xi32> to vector<64x512xf32>
    %mul3A = arith.constant -0.14391157 : f32
    %mul3A_6 = vector.broadcast %mul3A : f32 to vector<64x512xf32>
    %mul3A_7 = arith.mulf %convert_element_type3A, %mul3A_6 : vector<64x512xf32>
    %exp3A = math.exp %mul3A_7 : vector<64x512xf32>
    %mul3A_8 = vector.broadcast %get3A_1 : vector<1x512xf32> to vector<64x512xf32>
    %mul3A_9 = arith.mulf %mul3A_8, %exp3A : vector<64x512xf32>
    %lt3A_10 = arith.constant 32 : i32
    %lt3A_11 = vector.broadcast %lt3A_10 : i32 to vector<64x512xi32>
    %lt3A_12 = arith.cmpi slt, %iota3A, %lt3A_11 : vector<64x512xi32>
    %sin3A = math.sin %mul3A_9 : vector<64x512xf32>
    %cos3A = math.cos %mul3A_9 : vector<64x512xf32>
    %select_n3A_13 = arith.select %lt3A_12, %sin3A, %cos3A : vector<64x512xi1>, vector<64x512xf32>
    %swap3A = arith.constant 0 : index
    %swap3A_14 = arith.constant 0 : index
    %swap3A_15 = vector.load %arg4[%swap3A, %swap3A_14] : memref<64x512xf32, #tpu.memory_space<vmem>>, vector<64x512xf32>
    tpu.vector_store %arg4[%swap3A, %swap3A_14], %select_n3A_13 {strides = array<i32>} : memref<64x512xf32, #tpu.memory_space<vmem>>, vector<64x512xf32>,
    %get3A_16 = arith.constant 0 : index
    %get3A_17 = arith.constant 0 : index
    %get3A_18 = vector.load %arg3[%get3A_16, %get3A_17] : memref<64x128xf32, #tpu.memory_space<vmem>>, vector<64x128xf32>
    %get3A_19 = arith.constant 0 : index
    %get3A_20 = arith.constant 0 : index
    %get3A_21 = vector.load %arg2[%get3A_19, %get3A_20] : memref<512x128xf32, #tpu.memory_space<vmem>>, vector<512x128xf32>
    %dot_general3A = arith.constant dense<0.000000e+00> : vector<64x512xf32>
    %dot_general3A_22 = tpu.matmul %get3A_18, %get3A_21, %dot_general3A {dimension_numbers = #tpu.dot_dimension_numbers<[1], [1], [0], [0], [0, 0, 1, 0], [], []>, transpose_lhs_hint = false} : vector<64x128xf32>, vector<512x128xf32>, vector<64x512xf32> -> vector<64x512xf32>
    %swap3A_23 = arith.constant 0 : index
    %swap3A_24 = arith.constant 0 : index
    %swap3A_25 = vector.load %arg5[%swap3A_23, %swap3A_24] : memref<64x512xf32, #tpu.memory_space<vmem>>, vector<64x512xf32>
    tpu.vector_store %arg5[%swap3A_23, %swap3A_24], %dot_general3A_22 {strides = array<i32>} : memref<64x512xf32, #tpu.memory_space<vmem>>, vector<64x512xf32>,
    return
  }
  func.func @transform_0(%arg0: i32) -> (i32, i32) {
    %c0_i32 = arith.constant 0 : i32
    %c0_i32_0 = arith.constant 0 : i32
    return %c0_i32, %arg0 : i32, i32
  }
  func.func @transform_1(%arg0: i32) -> (i32, i32) {
    %c0_i32 = arith.constant 0 : i32
    %c0_i32_0 = arith.constant 0 : i32
    return %arg0, %c0_i32 : i32, i32
  }
  func.func @transform_2(%arg0: i32) -> (i32, i32) {
    %c0_i32 = arith.constant 0 : i32
    %c0_i32_0 = arith.constant 0 : i32
    %c0_i32_1 = arith.constant 0 : i32
    return %c0_i32, %c0_i32_0 : i32, i32
  }
  func.func @transform_3(%arg0: i32) -> (i32, i32) {
    %c0_i32 = arith.constant 0 : i32
    %c0_i32_0 = arith.constant 0 : i32
    return %c0_i32, %arg0 : i32, i32
  }
  func.func @transform_4(%arg0: i32) -> (i32, i32) {
    %c0_i32 = arith.constant 0 : i32
    %c0_i32_0 = arith.constant 0 : i32
    return %c0_i32, %arg0 : i32, i32
  }
}

module attributes {stable_mosaic.version = 14 : i64} {
  func.func @_tab_body(%arg0: i32, %arg1: memref<64x512xf32, #tpu.memory_space<vmem>>, %arg2: memref<512x128xf32, #tpu.memory_space<vmem>>) attributes {dimension_semantics = [#tpu.dimension_semantics<arbitrary>], iteration_bounds = array<i64: 1953>, scalar_prefetch = 0 : i64, scratch_operands = 0 : i64, tpu.core_type = #tpu.core_type<tc>, window_params = [{transform_indices = @transform_0, window_bounds = array<i64: 64, 512>}, {transform_indices = @transform_1, window_bounds = array<i64: 512, 128>}]} {
    %get3A = arith.constant 0 : index
    %get3A_0 = arith.constant 0 : index
    %get3A_1 = vector.load %arg1[%get3A, %get3A_0] : memref<64x512xf32, #tpu.memory_space<vmem>>, vector<64x512xf32>
    %transpose3A = tpu.transpose %get3A_1, [1, 0] : vector<64x512xf32> -> vector<512x64xf32>
    %swap3A = arith.constant 0 : index
    %swap3A_2 = arith.constant 0 : index
    %swap3A_3 = vector.load %arg2[%swap3A, %swap3A_2] : memref<512x128xf32, #tpu.memory_space<vmem>>, vector<512x64xf32>
    tpu.vector_store %arg2[%swap3A, %swap3A_2], %transpose3A {strides = array<i32>} : memref<512x128xf32, #tpu.memory_space<vmem>>, vector<512x64xf32>,
    %broadcast_in_dim3A = arith.constant 0.000000e+00 : f32
    %broadcast_in_dim3A_4 = vector.broadcast %broadcast_in_dim3A : f32 to vector<512x64xf32>
    %swap3A_5 = arith.constant 0 : index
    %swap3A_6 = arith.constant 64 : index
    %swap3A_7 = vector.load %arg2[%swap3A_5, %swap3A_6] : memref<512x128xf32, #tpu.memory_space<vmem>>, vector<512x64xf32>
    tpu.vector_store %arg2[%swap3A_5, %swap3A_6], %broadcast_in_dim3A_4 {strides = array<i32>} : memref<512x128xf32, #tpu.memory_space<vmem>>, vector<512x64xf32>,
    return
  }
  func.func @transform_0(%arg0: i32) -> (i32, i32) {
    %c0_i32 = arith.constant 0 : i32
    %c0_i32_0 = arith.constant 0 : i32
    return %c0_i32, %arg0 : i32, i32
  }
  func.func @transform_1(%arg0: i32) -> (i32, i32) {
    %c0_i32 = arith.constant 0 : i32
    %c0_i32_0 = arith.constant 0 : i32
    return %arg0, %c0_i32 : i32, i32
  }
}

</mosaic_0001>

<sc_bundles>
// kernel: kernel.5.cloned.1.call-start
scs
__scs_entry_jumppad:
0x0: {  	(pc) =	sbr.rel $0x88, $3  }
0x1: {  	(tag) =	ssettag $0x0;
	lr =	simm.s32 $0x1  }
0x2: {  	[smem:$0x3F9C] =	sst lr;
	_ =	strace $0xD0000000  }
0x3: {  	_ = 	snop  }
0x4: {  	_ = 	snop  }
0x5: {  	_ = 	snop  }
0x6: {  	_ = 	snop  }
0x7: {  	_ = 	snop  }
__scs_overlays_trampoline_lowered:
0x8: {  	[smem:$0x3FAB] =	sst s0  }
0x9: {  	[smem:$0x3FAC] =	sst s1  }
0xa: {  	[smem:$0x3FAD] =	sst s2  }
0xb: {  	[smem:$0x3FAE] =	sst s3  }
0xc: {  	[smem:$0x3FAF] =	sst s4  }
0xd: {  	[smem:$0x3FB0] =	sst s5  }
0xe: {  	[smem:$0x3FB1] =	sst s6  }
0xf: {  	[smem:$0x3FB2] =	sst s7  }
0x10: {  	[smem:$0x3FB3] =	sst s8  }
0x11: {  	[smem:$0x3FB4] =	sst s9;
	s0 =	simm.s32 @!p0 $0x0  }
0x12: {  	s1 =	sld [smem:$0x3F9A];
	s0 =	simm.s32 @p0 $0x1  }
0x13: {  	[smem:$0x3FB5] =	sst s0;
	s0 =	simm.s32 @!p1 $0x0  }
0x14: {  	s2 =	sld [smem:$0x3F99];
	s0 =	simm.s32 @p1 $0x1  }
0x15: {  	[smem:$0x3FB6] =	sst s0;
	s0 =	simm.s32 @!p2 $0x0  }
0x16: {  	s3 =	sld [smem:$0x3FDB];
	s0 =	simm.s32 @p2 $0x1  }
0x17: {  	s4 =	simm.s32 $0x1BF5;
	[smem:$0x3FB8] =	sst s0  }
0x18: {  	s0 =	sld [smem:$0x3F9B];
	_ =	swait.ge [sflag:s4], $0x0  }
0x19: {  	s7 =	sld [smem:$0x3F9C]  }
0x1a: {  	s8 =	sadd.s32 $0xFFFFE003, lr  }
0x1b: {  	s9 =	sadd.s32 $0xFFFFFEF7, lr;
	s5 =	simm.s32 $0xFFFFFFFF;
	p2 =	slt.u32 s8, $0xFFFFF086  }
0x1c: {  	p1 =	slt.u32 s9, $0xF7A;
	s5 =	simm.s32 @!p2 $0x0  }
0x1d: {  	s5 =	simm.s32 @p1 $0x1;
	p0 =	seq.s32 s7, s2  }
0x1e: {  	s7 =	smul.u32 @!p0 $0xF7A, s2;
	p2 =	seq.s32 @!p0 s5, $0x0  }
0x1f: {  	s9 =	smul.u32 $0xF7A, s1;
	s8 =	simm.s32 @!p0 $0x1BF5;
	p2 =	por !p2, p0  }
0x20: {  	[sflag:s8] =	ssyncset.s32 @!p0 $0xFFFFF086;
	s6 =	sadd.s32 @!p0 s3, s7;
	s7 =	simm.s32 @!p0 $0x108  }
0x21: {  	s3 =	sadd.s32 s3, s9;
	s6 =	sadd.s32 @!p0 $0x88, s6;
	s7 =	simm.s32 @p2 $0x1082  }
0x22: {  	[simem:s7], [sflag:s8] =	dma.local @!p0 [hbm:s6], $0xF7A  }
0x23: {  	s9 =	sor.u32 $0xD0000000, s2;
	s6 =	simm.s32 $0x108;
	_ =	swait.ge @!p0 [sflag:s8], $0x0  }
0x24: {  	s3 =	sadd.s32 $0x88, s3;
	s6 =	simm.s32 @!p1 $0x1082;
	[sflag:s4] =	ssyncset.s32 $0xFFFFF086  }
0x25: {  	[simem:s6], [sflag:s4] =	dma.local [hbm:s3], $0xF7A  }
0x26: {  	[smem:$0x3F9C] =	sst s1;
	(tag) =	ssettag s2;
	_ =	strace s9  }
0x27: {  	s1 =	sld [smem:$0x3FAC]  }
0x28: {  	s2 =	sld [smem:$0x3FAD]  }
0x29: {  	s4 =	sld [smem:$0x3FAF]  }
0x2a: {  	p0 =	seq.s32 s5, $0x0;
	s5 =	sld [smem:$0x3FB0]  }
0x2b: {  	s6 =	sld [smem:$0x3FB1]  }
0x2c: {  	s7 =	sld [smem:$0x3FB2]  }
0x2d: {  	s3 =	simm.s32 $0x108;
	s8 =	sld [smem:$0x3FB3]  }
0x2e: {  	s3 =	simm.s32 @!p0 $0x1082;
	s9 =	sld [smem:$0x3FB4]  }
0x2f: {  	lr =	sadd.s32 s0, s3;
	s0 =	sld [smem:$0x3FAB]  }
0x30: {  	s3 =	sld [smem:$0x3FAE]  }
0x31: {  	[smem:$0x3FB7] =	sst s10  }
0x32: {  	s10 =	sld [smem:$0x3FB5];
	_ =	sdelay $0x3  }
0x33: {  	p0 =	seq.s32 s10, $0x1;
	s10 =	sld [smem:$0x3FB7];
	_ =	sdelay $0x3  }
0x34: {  	[smem:$0x3FB7] =	sst s10  }
0x35: {  	s10 =	sld [smem:$0x3FB6];
	_ =	sdelay $0x3  }
0x36: {  	p1 =	seq.s32 s10, $0x1;
	s10 =	sld [smem:$0x3FB7];
	_ =	sdelay $0x3  }
0x37: {  	[smem:$0x3FB7] =	sst s10  }
0x38: {  	s10 =	sld [smem:$0x3FB8]  }
0x39: {  	_ = 	snop;
	(pc) =	sbr.ind lr, $3  }
0x3a: {  	_ = 	snop  }
0x3b: {  	_ = 	snop  }
0x3c: {  	p2 =	seq.s32 s10, $0x1;
	s10 =	sld [smem:$0x3FB7]  }
0x3d: {  	_ =	shalt  }
0x3e: {  	_ =	shalt  }
0x3f: {  	_ =	shalt  }
0x40: {  	_ =	shalt  }
0x41: {  	_ =	shalt  }
0x42: {  	_ =	shalt  }
0x43: {  	_ =	shalt  }
0x44: {  	_ =	shalt  }
0x45: {  	_ =	shalt  }
0x46: {  	_ =	shalt  }
0x47: {  	_ =	shalt  }
0x48: {  	_ =	shalt  }
0x49: {  	_ =	shalt  }
0x4a: {  	_ =	shalt  }
0x4b: {  	_ =	shalt  }
0x4c: {  	_ =	shalt  }
0x4d: {  	_ =	shalt  }
0x4e: {  	_ =	shalt  }
0x4f: {  	_ =	shalt  }
0x50: {  	_ =	shalt  }
0x51: {  	_ =	shalt  }
0x52: {  	_ =	shalt  }
0x53: {  	_ =	shalt  }
0x54: {  	_ =	shalt  }
0x55: {  	_ =	shalt  }
0x56: {  	_ =	shalt  }
0x57: {  	_ =	shalt  }
0x58: {  	_ =	shalt  }
0x59: {  	_ =	shalt  }
0x5a: {  	_ =	shalt  }
0x5b: {  	_ =	shalt  }
0x5c: {  	_ =	shalt  }
0x5d: {  	_ =	shalt  }
0x5e: {  	_ =	shalt  }
0x5f: {  	_ =	shalt  }
0x60: {  	_ =	shalt  }
0x61: {  	_ =	shalt  }
0x62: {  	_ =	shalt  }
0x63: {  	_ =	shalt  }
0x64: {  	_ =	shalt  }
0x65: {  	_ =	shalt  }
0x66: {  	_ =	shalt  }
0x67: {  	_ =	shalt  }
0x68: {  	_ =	shalt  }
0x69: {  	_ =	shalt  }
0x6a: {  	_ =	shalt  }
0x6b: {  	_ =	shalt  }
0x6c: {  	_ =	shalt  }
0x6d: {  	_ =	shalt  }
0x6e: {  	_ =	shalt  }
0x6f: {  	_ =	shalt  }
0x70: {  	_ =	shalt  }
0x71: {  	_ =	shalt  }
0x72: {  	_ =	shalt  }
0x73: {  	_ =	shalt  }
0x74: {  	_ =	shalt  }
0x75: {  	_ =	shalt  }
0x76: {  	_ =	shalt  }
0x77: {  	_ =	shalt  }
0x78: {  	_ =	shalt  }
0x79: {  	_ =	shalt  }
0x7a: {  	_ =	shalt  }
0x7b: {  	_ =	shalt  }
0x7c: {  	_ =	shalt  }
0x7d: {  	_ =	shalt  }
0x7e: {  	_ =	shalt  }
0x7f: {  	_ =	shalt  }
0x80: {  	_ =	shalt  }
0x81: {  	_ =	shalt  }
0x82: {  	_ =	shalt  }
0x83: {  	_ =	shalt  }
0x84: {  	_ =	shalt  }
0x85: {  	_ =	shalt  }
0x86: {  	_ =	shalt  }
0x87: {  	_ =	shalt  }
.Lfunc_end0:
.L_simem_size_0:
called_computation_lowered:
.L_overlay_start_0:
0x88: {  	s2 =	sld [smem:$0x3FD9]  }
0x89: {  	s3 =	sld [smem:$0x3FFE];
	_ =	sdelay $0x1  }
0x8a: {  	s1 =	srdreg.scid  }
0x8b: {  	s0 =	sand.u32 $0x1, s1  }
0x8c: {  	s14 =	sshll.u32 s0, $0xA;
	s2 =	sadd.s32 s3, s2  }
0x8d: {  	s2 =	sadd.s32 s2, s14  }
0x8e: {  	[smem:$0x3FC3] =	sst s2  }
0x8f: {  	_ = 	snop  }
0x90: {  	s2 =	sld [smem:$0x3FD0];
	_ =	sdelay $0x2  }
0x91: {  	s4 =	simm.s32 $0xA;
	s5 =	simm.s32 $0x10;
	s15 =	sld [smem:$0x3FC9]  }
0x92: {  	[smem:s5], [sflag:s4] =	dma.local [hbm:s2], $0x1  }
0x93: {  	_ =	swait.eq [sflag:s4], $0x1  }
0x94: {  	[sflag:s4] =	ssyncset.done $0x0  }
0x95: {  	[sflag:s4] =	ssyncadd.s32 $0xFFFFFFFF  }
0x96: {  	s16 =	sld [smem:$0x10];
	(tm) =	ssettm $0x1  }
0x97: {  	s17 =	sld [smem:$0x3FFB];
	_ =	sdelay $0x3  }
0x98: {  	_ =	strace s17  }
0x99: {  	s4 =	sld [smem:$0x3FFC];
	_ =	sdelay $0x3  }
0x9a: {  	_ =	strace s4  }
0x9b: {  	s4 =	sld [smem:$0x3FFD];
	_ =	sdelay $0x3  }
0x9c: {  	_ =	strace s4  }
0x9d: {  	_ =	strace $0x8FFFFFFF  }
0x9e: {  	s18 =	sld [smem:$0x3FDB];
	_ =	sdelay $0x1  }
0x9f: {  	s19 =	simm.s32 $_scs_section_size  }
0xa0: {  	s6 =	simm.s32 $_size__tile_overlayer_lowered;
	s7 =	simm.s32 $_tile_overlayer_lowered  }
0xa1: {  	s22 =	simm.s32 $0x1BFF;
	s21 =	sshll.u32 s7, $0x1;
	s4 =	sadd.s32 s19, s18  }
0xa2: {  	s8 =	simm.s32 $0x0;
	s20 =	sshll.u32 s6, $0x1;
	s6 =	sadd.s32 s21, s4  }
0xa3: {  	[timem:s8], [sflag:s22] =	dma.local [hbm:s6], s20  }
0xa4: {  	_ =	swait.ge [sflag:s22], s20  }
0xa5: {  	s5 =	ssub.s32 $0x0, s20;
	[sflag:s22] =	ssyncset.done $0x0  }
0xa6: {  	[sflag:s22] =	ssyncadd.s32 s5;
	_ =	sdelay $0x1  }
0xa7: {  	s23 =	simm.s32 $0x1B8B  }
0xa8: {  	_ =	swait.ge [sflag:s23], $0x1  }
0xa9: {  	[sflag:s23] =	ssyncset.done $0x0  }
0xaa: {  	s25 =	simm.s32 $0x1B8E;
	s24 =	sld [smem:$0x3FFE];
	[sflag:s23] =	ssyncadd.s32 $0xFFFFFFFF  }
0xab: {  	s26 =	simm.s32 $execute0_lowered;
	[smem:$0x3FD2] =	sst s25  }
0xac: {  	s6 =	sshll.u32 s26, $0x1;
	_ =	strace $0x80000046;
	[dreg:$0x1] =	wrdreg $0xFFFFFFFF  }
0xad: {  	s28 =	simm.s32 $_size_execute0_lowered;
	s4 =	sadd.s32 s4, s6;
	[dreg:$0x0] =	wrdreg $0x0  }
0xae: {  	s6 =	sshll.u32 s28, $0x1;
	[dreg:$0x2] =	wrdreg s4  }
0xaf: {  	[dreg:$0x3] =	wrdreg s6  }
0xb0: {  	[dreg:$0x4] =	wrdreg $0xC0  }
0xb1: {  	_ =	task [dreg:s8], $0x5FFFF  }
0xb2: {  	[dreg:$0x1] =	wrdreg $0xFFFFFFFF  }
0xb3: {  	[dreg:$0x0] =	wrdreg $0x60  }
0xb4: {  	[dreg:$0x2] =	wrdreg s15  }
0xb5: {  	[dreg:$0x3] =	wrdreg s24  }
0xb6: {  	[dreg:$0x4] =	wrdreg s16  }
0xb7: {  	[dreg:$0x5] =	wrdreg $0x9  }
0xb8: {  	_ =	task.clear_ibuf [dreg:s8], $0x6FFFF;
	_ =	strace $0x90000046  }
0xb9: {  	s29 =	simm.s32 $0x9;
	_ =	strace $0x80000048  }
0xba: {  	_ =	swait.ge [sflag:s29], $0x1  }
0xbb: {  	[sflag:s29] =	ssyncadd.s32 $0xFFFFFFFF  }
0xbc: {  	_ =	strace $0x90000048  }
0xbd: {  	_ =	sfence  }
0xbe: {  	s30 =	sld [smem:$0x0];
	_ =	sdelay $0x2  }
0xbf: {  	s31 =	sshll.u32 s1, $0xD;
	s1 =	sshrl.u32 s1, $0x2  }
0xc0: {  	s3 =	sand.u32 $0x4000, s31;
	s1 =	sadd.s32 s1, s30  }
0xc1: {  	s0 =	sor.u32 s3, s0;
	s1 =	sshll.u32 s1, $0x11  }
0xc2: {  	s0 =	sor.u32 s1, s0  }
0xc3: {  	s0 =	sadd.s32 $0x8F2B, s0  }
0xc4: {  	[sflag:s0] =	ssyncadd.remote.s32 $0x1  }
0xc5: {  	_ =	sfence.sel $0xFFFF  }
0xc6: {  	[dreg:$0x0] =	wrdreg $0xFFFFFFFF;
	(pc) =	sbr.abs _section_cstart, $3  }
0xc7: {  	[dreg:$0x1] =	wrdreg $0xFFFFFFFF  }
0xc8: {  	_ =	task.clear_ibuf [dreg:s8], $0x2FFFF;
	_ =	strace $0x9FFFFFFF  }
0xc9: {  	(tm) =	ssettm $0x7FFFFFFF  }
tec
execute0_lowered:
.L_overlay_start_1:
0x0: {  	(tag) =	ssettag $0x1  }
0x1: {  	s5 =	rddreg [dreg:$0x0]  }
0x2: {  	s4 =	rddreg [dreg:$0x1]  }
0x3: {  	s2 =	rddreg [dreg:$0x2]  }
0x4: {  	s0 =	rddreg [dreg:$0x3]  }
0x5: {  	s6 =	srdreg.scid;
	s1 =	stileid.u32  }
0x6: {  	s3 =	simm.s32 $0x0;
	s12 =	simm.s32 $0x400;
	s13 =	simm.s32 $0x8000  }
0x7: {  	s14 =	simm.s32 $0x4;
	s15 =	simm.s32 $0x12400;
	s16 =	simm.s32 $0x80  }
0x8: {  	s17 =	simm.s32 $0x6400;
	s18 =	simm.s32 $0xA400;
	s19 =	simm.s32 $0x1  }
0x9: {  	s20 =	simm.s32 $0xE400;
	s21 =	simm.s32 $0x2;
	s22 =	simm.s32 $0x10400  }
0xa: {  	s23 =	simm.s32 $0x3;
	s6 =	sand.u32 $0x1, s6;
	s7 =	sshll.u32 s1, $0x1  }
0xb: {  	v0 =	vlaneseq.u32;
	s24 =	simm.s32 $0x0;
	[smem:$0x7FF] =	sst s3;
	s7 =	sor.u32 s6, s7  }
.Ltmp0:
0xc: {  	v1 =	vmul.u32 $0x80, v0;
	v3 =	vor.u32 $0x10, v0;
	v5 =	vor.u32 $0x20, v0;
	s6 =	ssub.s32 $0x2, s6;
	s8 =	sshll.u32 s7, $0x7;
	(pc) =	sbr.rel .LBB2_1-.Ltmp0, $4  }
0xd: {  	v7 =	vor.u32 $0x30, v0;
	v9 =	vor.u32 $0x40, v0;
	v11 =	vor.u32 $0x50, v0;
	_ =	strace $0x80000047;
	s10 =	sshrl.u32 s6, $0x1;
	s9 =	sadd.s32 s8, s4  }
0xe: {  	v13 =	vor.u32 $0x60, v0;
	v15 =	vor.u32 $0x70, v0;
	v2 =	vor.u32 $0x800, v1;
	s4 =	sadd.s32 $0xE00, s4;
	s11 =	ssub.s32 s6, s10;
	s5 =	sadd.s32 s5, s8  }
0xf: {  	v4 =	vor.u32 $0x1000, v1;
	v6 =	vor.u32 $0x1800, v1;
	v8 =	vor.u32 $0x2000, v1;
	s6 =	sshll.u32 s7, $0xA;
	s8 =	sadd.s32 s2, s8;
	s10 =	sadd.s32 $0x8000, s2  }
0x10: {  	v10 =	vor.u32 $0x2800, v1;
	v12 =	vor.u32 $0x3000, v1;
	v14 =	vor.u32 $0x3800, v1;
	s7 =	sadd.s32 $0xF43200, s9;
	s9 =	sor.u32 $0x80000, s6;
	s11 =	smax.u32 s11, $0x1  }
.LBB2_8:
0x11: {  	s24 =	sadd.s32 $0x1, s24  }
0x12: {  	_ =	swait.ge [sflag:s23], $0x2000;
	p0 =	sne.s32 s24, s11  }
.Ltmp1:
0x13: {  	[sflag:s23] =	ssyncset.done $0x0;
	(pc) =	sbr.rel @!p0 .LBB2_9-.Ltmp1, $4  }
0x14: {  	[sflag:s23] =	ssyncadd.s32 $0xFFFFE000  }
0x15: {  	_ =	swait.ge [sflag:s23], $0x2000  }
0x16: {  	[sflag:s23] =	ssyncset.done $0x0  }
0x17: {  	[sflag:s23] =	ssyncadd.s32 $0xFFFFE000  }
.LBB2_1:
0x18: {  	[tilespmem:s3], [sflag:$0x4] =	stream.strided.gather [hbm4b:s5+s12], $0x6400, s13, s12, $0x38;
	[tilespmem:$0x14400] =	vst v63  }
0x19: {  	_ =	swait.ge [sflag:s14], $0x6400  }
0x1a: {  	[sflag:s14] =	ssyncset.done $0x0  }
0x1b: {  	[sflag:s14] =	ssyncadd.s32 $0xFFFF9C00  }
0x1c: {  	[tilespmem:s15], [sflag:$0x4] =	stream.strided.gather [hbm4b:s7+s12], $0x2000, s13, s12, $0x38;
	[tilespmem:$0x14400] =	vst v63  }
0x1d: {  	_ =	swait.ge [sflag:s14], $0x2000  }
0x1e: {  	[sflag:s14] =	ssyncset.done $0x0  }
0x1f: {  	[sflag:s14] =	ssyncadd.s32 $0xFFFFE000  }
0x20: {  	[hbm4b:s8+s12] =	stream.strided.scatter [tilespmem:s15], [sflag:$0x4], $0x2000, s13, s12, $0x38;
	[tilespmem:$0x14400] =	vst v63  }
0x21: {  	_ =	swait.ge [sflag:s14], $0x2000  }
0x22: {  	[sflag:s14] =	ssyncset.done $0x0  }
0x23: {  	[sflag:s14] =	ssyncadd.s32 $0xFFFFE000  }
0x24: {  	[tilespmem:s17], [sflag:$0x1] =	stream.indirect.gather [hbm4b:s4+s16], $0x80, s3, s16, $0xb8;
	[tilespmem:$0x14400] =	vst v63  }
0x25: {  	s25 =	simm.s32 $0x0  }
0x26: {  	[tilespmem:s18], [sflag:$0x2] =	stream.indirect.gather [hbm4b:s4+s16], $0x80, s16, s16, $0xb8;
	[tilespmem:$0x14400] =	vst v63  }
.LBB2_2:
0x27: {  	s26 =	simm.s32 $0x0  }
0x28: {  	s28 =	sand.u32 $0xE, s26  }
0x29: {  	p0 =	seq.s32 s25, $0x0;
	v16 =	vadd.s32 s28, v0  }
0x2a: {  	s29 =	simm.s32 @!p0 $0x3;
	s26 =	sand.u32 $0x30, s26;
	v16 =	vand.u32 $0xF, v16  }
0x2b: {  	_ =	swait.ge @!p0 [sflag:s29], $0x2000;
	s28 =	sor.u32 $0x1, s28;
	v25 =	vor.u32 s26, v16  }
0x2c: {  	[sflag:s29] =	ssyncset.done @!p0 $0x0;
	v16 =	vadd.s32 s28, v0;
	v17 =	vor.u32 v1, v25  }
0x2d: {  	[sflag:s29] =	ssyncadd.s32 @!p0 $0xFFFFE000;
	v16 =	vand.u32 $0xF, v16  }
0x2e: {  	_ =	swait.ge [sflag:s19], $0x4000;
	v32 =	vor.u32 s26, v16  }
0x2f: {  	[sflag:s19] =	ssyncset.done $0x0;
	v16 =	vor.u32 v1, v32  }
0x30: {  	v31 =	vshll.u32 v25, $0x7;
	[sflag:s19] =	ssyncadd.s32 $0xFFFFC000  }
0x31: {  	v18 =	vor.u32 v0, v31;
	v17 =	vld.idx.msk [tilespmem:v17+s17+$0x0], $0xffff  }
0x32: {  	v19 =	vor.u32 v2, v25  }
0x33: {  	v30 =	vshll.u32 v32, $0x7  }
0x34: {  	s29 =	simm.s32 $0x2;
	v20 =	vor.u32 v0, v30;
	v16 =	vld.idx.msk [tilespmem:v16+s17+$0x0], $0xffff  }
0x35: {  	s28 =	sand.u32 $0xE, s29;
	v21 =	vor.u32 v2, v32  }
0x36: {  	v22 =	vadd.s32 s28, v0;
	[tilespmem:v18+s20+$0x0] =	vst.idx.msk $0xffff, v17  }
0x37: {  	s26 =	sand.u32 $0x30, s29;
	v17 =	vand.u32 $0xF, v22;
	v22 =	vor.u32 v3, v31;
	v18 =	vld.idx.msk [tilespmem:v19+s17+$0x0], $0xffff  }
0x38: {  	v23 =	vor.u32 v4, v25;
	v17 =	vor.u32 s26, v17  }
0x39: {  	[tilespmem:v20+s20+$0x0] =	vst.idx.msk $0xffff, v16;
	v20 =	vor.u32 v1, v17  }
0x3a: {  	s28 =	sor.u32 $0x1, s28;
	v24 =	vor.u32 v3, v30;
	v21 =	vld.idx.msk [tilespmem:v21+s17+$0x0], $0xffff  }
0x3b: {  	v26 =	vor.u32 v4, v32;
	v16 =	vadd.s32 s28, v0  }
0x3c: {  	v16 =	vand.u32 $0xF, v16;
	[tilespmem:v22+s20+$0x0] =	vst.idx.msk $0xffff, v18  }
0x3d: {  	v27 =	vor.u32 v5, v31;
	v19 =	vor.u32 s26, v16;
	v16 =	vshll.u32 v17, $0x7;
	v23 =	vld.idx.msk [tilespmem:v23+s17+$0x0], $0xffff  }
0x3e: {  	v28 =	vor.u32 v6, v25;
	v29 =	vor.u32 v0, v16;
	v22 =	vor.u32 v1, v19;
	v20 =	vld.idx.msk [tilespmem:v20+s17+$0x0], $0xffff  }
0x3f: {  	v36 =	vor.u32 v8, v25;
	[tilespmem:v24+s20+$0x0] =	vst.idx.msk $0xffff, v21;
	v21 =	vor.u32 v2, v17  }
0x40: {  	v61 =	vor.u32 v10, v25;
	v51 =	vor.u32 v12, v25;
	v24 =	vld.idx.msk [tilespmem:v26+s17+$0x0], $0xffff;
	v26 =	vor.u32 v5, v30  }
0x41: {  	v41 =	vor.u32 v9, v31;
	v49 =	vor.u32 v11, v31;
	v33 =	vor.u32 v6, v32  }
0x42: {  	s30 =	simm.s32 $0x4;
	v58 =	vor.u32 v13, v31;
	v38 =	vor.u32 v8, v32;
	v18 =	vshll.u32 v19, $0x7;
	[tilespmem:v27+s20+$0x0] =	vst.idx.msk $0xffff, v23  }
0x43: {  	v44 =	vor.u32 v10, v32;
	s28 =	sand.u32 $0xE, s30;
	v34 =	vld.idx.msk [tilespmem:v22+s17+$0x0], $0xffff;
	v23 =	vor.u32 v0, v18;
	[tilespmem:v29+s20+$0x0] =	vst.idx.msk $0xffff, v20  }
0x44: {  	v22 =	vadd.s32 s28, v0;
	v20 =	vor.u32 v2, v19;
	v29 =	vor.u32 v3, v16;
	v21 =	vld.idx.msk [tilespmem:v21+s17+$0x0], $0xffff  }
0x45: {  	s28 =	sor.u32 $0x1, s28;
	v27 =	vor.u32 v7, v31;
	v28 =	vld.idx.msk [tilespmem:v28+s17+$0x0], $0xffff;
	[tilespmem:v26+s20+$0x0] =	vst.idx.msk $0xffff, v24;
	v24 =	vor.u32 v4, v17  }
0x46: {  	v37 =	vor.u32 v7, v30;
	s26 =	sand.u32 $0x30, s30;
	v22 =	vand.u32 $0xF, v22;
	v26 =	vadd.s32 s28, v0;
	v33 =	vld.idx.msk [tilespmem:v33+s17+$0x0], $0xffff  }
0x47: {  	v52 =	vor.u32 v12, v32;
	v22 =	vor.u32 s26, v22;
	v26 =	vand.u32 $0xF, v26  }
0x48: {  	v42 =	vor.u32 v9, v30;
	[tilespmem:v23+s20+$0x0] =	vst.idx.msk $0xffff, v34;
	v23 =	vor.u32 s26, v26;
	v26 =	vor.u32 v1, v22  }
0x49: {  	v59 =	vor.u32 v1, v23;
	v40 =	vld.idx.msk [tilespmem:v20+s17+$0x0], $0xffff;
	[tilespmem:v29+s20+$0x0] =	vst.idx.msk $0xffff, v21;
	v29 =	vor.u32 v3, v18  }
0x4a: {  	[tilespmem:v27+s20+$0x0] =	vst.idx.msk $0xffff, v28;
	v27 =	vor.u32 v5, v16;
	v28 =	vor.u32 v4, v19;
	v24 =	vld.idx.msk [tilespmem:v24+s17+$0x0], $0xffff  }
0x4b: {  	v50 =	vor.u32 v11, v30;
	v60 =	vor.u32 v6, v17;
	v36 =	vld.idx.msk [tilespmem:v36+s17+$0x0], $0xffff;
	[tilespmem:v37+s20+$0x0] =	vst.idx.msk $0xffff, v33  }
0x4c: {  	v48 =	vor.u32 v8, v17;
	v35 =	vor.u32 v7, v16;
	v20 =	vshll.u32 v22, $0x7;
	v37 =	vld.idx.msk [tilespmem:v38+s17+$0x0], $0xffff  }
0x4d: {  	v39 =	vor.u32 v6, v19;
	v21 =	vshll.u32 v23, $0x7;
	v43 =	vor.u32 v0, v20;
	v26 =	vld.idx.msk [tilespmem:v26+s17+$0x0], $0xffff  }
0x4e: {  	v62 =	vor.u32 v2, v22;
	s28 =	simm.s32 $0x6;
	v45 =	vor.u32 v0, v21;
	v34 =	vld.idx.msk [tilespmem:v59+s17+$0x0], $0xffff;
	[tilespmem:v29+s20+$0x0] =	vst.idx.msk $0xffff, v40  }
0x4f: {  	s31 =	sand.u32 $0xE, s28;
	v63 =	vor.u32 v2, v23;
	[tilespmem:v27+s20+$0x0] =	vst.idx.msk $0xffff, v24;
	v24 =	vld.idx.msk [tilespmem:v28+s17+$0x0], $0xffff;
	v27 =	vor.u32 v5, v18  }
0x50: {  	v57 =	vor.u32 v8, v19;
	v47 =	vor.u32 v7, v18;
	s30 =	sor.u32 $0x1, s31;
	[tilespmem:v41+s20+$0x0] =	vst.idx.msk $0xffff, v36;
	v33 =	vld.idx.msk [tilespmem:v60+s17+$0x0], $0xffff  }
0x51: {  	v54 =	vor.u32 v4, v22;
	v53 =	vadd.s32 s30, v0;
	v38 =	vld.idx.msk [tilespmem:v61+s17+$0x0], $0xffff;
	[tilespmem:v42+s20+$0x0] =	vst.idx.msk $0xffff, v37  }
0x52: {  	v46 =	vor.u32 v3, v20;
	v29 =	vor.u32 v7, v20;
	[tilespmem:v43+s20+$0x0] =	vst.idx.msk $0xffff, v26;
	v44 =	vld.idx.msk [tilespmem:v44+s17+$0x0], $0xffff  }
0x53: {  	v59 =	vor.u32 v3, v21;
	v26 =	vadd.s32 s31, v0;
	s31 =	sand.u32 $0x30, s28;
	[tilespmem:v45+s20+$0x0] =	vst.idx.msk $0xffff, v34;
	v40 =	vld.idx.msk [tilespmem:v62+s17+$0x0], $0xffff;
	v45 =	vand.u32 $0xF, v53  }
0x54: {  	v28 =	vor.u32 v6, v23;
	[tilespmem:v27+s20+$0x0] =	vst.idx.msk $0xffff, v24;
	v24 =	vor.u32 s31, v45;
	v36 =	vld.idx.msk [tilespmem:v63+s17+$0x0], $0xffff  }
0x55: {  	v26 =	vand.u32 $0xF, v26;
	[tilespmem:v35+s20+$0x0] =	vst.idx.msk $0xffff, v33;
	v55 =	vld.idx.msk [tilespmem:v39+s17+$0x0], $0xffff;
	v56 =	vor.u32 v1, v24  }
0x56: {  	v41 =	vor.u32 v9, v18;
	v26 =	vor.u32 s31, v26;
	[tilespmem:v49+s20+$0x0] =	vst.idx.msk $0xffff, v38;
	v37 =	vld.idx.msk [tilespmem:v48+s17+$0x0], $0xffff  }
0x57: {  	v60 =	vor.u32 v14, v25;
	v38 =	vld.idx.msk [tilespmem:v51+s17+$0x0], $0xffff;
	v48 =	vor.u32 v1, v26;
	[tilespmem:v50+s20+$0x0] =	vst.idx.msk $0xffff, v44  }
0x58: {  	v62 =	vor.u32 v13, v30;
	v35 =	vor.u32 v9, v16;
	[tilespmem:v46+s20+$0x0] =	vst.idx.msk $0xffff, v40;
	v61 =	vld.idx.msk [tilespmem:v52+s17+$0x0], $0xffff  }
0x59: {  	v30 =	vor.u32 v15, v30;
	v63 =	vor.u32 v14, v32;
	v52 =	vor.u32 v4, v23;
	v49 =	vld.idx.msk [tilespmem:v54+s17+$0x0], $0xffff  }
0x5a: {  	v27 =	vshll.u32 v24, $0x7;
	v50 =	vor.u32 v5, v20;
	[tilespmem:v47+s20+$0x0] =	vst.idx.msk $0xffff, v55;
	v51 =	vld.idx.msk [tilespmem:v56+s17+$0x0], $0xffff  }
0x5b: {  	v53 =	vor.u32 v0, v27;
	v54 =	vor.u32 v6, v22;
	[tilespmem:v59+s20+$0x0] =	vst.idx.msk $0xffff, v36;
	v39 =	vld.idx.msk [tilespmem:v57+s17+$0x0], $0xffff  }
0x5c: {  	v25 =	vshll.u32 v26, $0x7;
	v33 =	vor.u32 v6, v24;
	[tilespmem:v58+s20+$0x0] =	vst.idx.msk $0xffff, v38;
	v43 =	vld.idx.msk [tilespmem:v48+s17+$0x0], $0xffff  }
0x5d: {  	v34 =	vor.u32 v2, v24;
	[tilespmem:v35+s20+$0x0] =	vst.idx.msk $0xffff, v37;
	v38 =	vor.u32 v10, v17;
	v35 =	vld.idx.msk [tilespmem:v60+s17+$0x0], $0xffff  }
0x5e: {  	v32 =	vor.u32 v7, v25;
	v37 =	vor.u32 v15, v31;
	[tilespmem:v62+s20+$0x0] =	vst.idx.msk $0xffff, v61;
	v42 =	vld.idx.msk [tilespmem:v52+s17+$0x0], $0xffff  }
0x5f: {  	v45 =	vor.u32 v0, v25;
	v36 =	vor.u32 v10, v19;
	v31 =	vld.idx.msk [tilespmem:v63+s17+$0x0], $0xffff;
	[tilespmem:v50+s20+$0x0] =	vst.idx.msk $0xffff, v49  }
0x60: {  	s26 =	sshll.u32 s25, $0x1;
	v44 =	vor.u32 v5, v21;
	v46 =	vor.u32 v2, v26;
	[tilespmem:v53+s20+$0x0] =	vst.idx.msk $0xffff, v51;
	v40 =	vld.idx.msk [tilespmem:v54+s17+$0x0], $0xffff  }
.LBB2_3:
0x61: {  	[tilespmem:v41+s20+$0x0] =	vst.idx.msk $0xffff, v39;
	v39 =	vor.u32 v11, v18;
	v41 =	vor.u32 v12, v19  }
0x62: {  	s28 =	sadd.s32 $0x2, s28;
	v38 =	vld.idx.msk [tilespmem:v38+s17+$0x0], $0xffff;
	v47 =	vmovc v21;
	v21 =	vmovc v27;
	v48 =	vmov v32;
	v27 =	vmov v28;
	v28 =	vmov v33  }
0x63: {  	v32 =	vor.u32 v8, v22;
	v33 =	vor.u32 v11, v16;
	s29 =	sand.u32 $0xE, s28;
	p0 =	slt.u32 s28, $0x3E;
	[tilespmem:v37+s20+$0x0] =	vst.idx.msk $0xffff, v35  }
0x64: {  	v37 =	vor.u32 v12, v17;
	v35 =	vadd.s32 s29, v0;
	s29 =	sor.u32 $0x1, s29;
	[tilespmem:v45+s20+$0x0] =	vst.idx.msk $0xffff, v43;
	v36 =	vld.idx.msk [tilespmem:v36+s17+$0x0], $0xffff  }
0x65: {  	v35 =	vand.u32 $0xF, v35;
	v43 =	vadd.s32 s29, v0;
	v45 =	vld.idx.msk [tilespmem:v46+s17+$0x0], $0xffff;
	v46 =	vor.u32 v9, v20;
	[tilespmem:v30+s20+$0x0] =	vst.idx.msk $0xffff, v31  }
0x66: {  	s29 =	sand.u32 $0x30, s28;
	v31 =	vor.u32 v3, v25;
	v30 =	vand.u32 $0xF, v43;
	[tilespmem:v44+s20+$0x0] =	vst.idx.msk $0xffff, v42;
	v42 =	vor.u32 v7, v47  }
0x67: {  	v35 =	vor.u32 s29, v35;
	v43 =	vor.u32 v4, v26;
	v30 =	vor.u32 s29, v30;
	[tilespmem:v29+s20+$0x0] =	vst.idx.msk $0xffff, v40;
	v40 =	vld.idx.msk [tilespmem:v27+s17+$0x0], $0xffff  }
0x68: {  	v49 =	vshll.u32 v35, $0x7;
	v44 =	vor.u32 v1, v30;
	v27 =	vshll.u32 v30, $0x7;
	v50 =	vld.idx.msk [tilespmem:v32+s17+$0x0], $0xffff;
	[tilespmem:v33+s20+$0x0] =	vst.idx.msk $0xffff, v38  }
0x69: {  	v51 =	vor.u32 v1, v35;
	v32 =	vor.u32 v7, v49;
	v33 =	vor.u32 v6, v30;
	v37 =	vld.idx.msk [tilespmem:v37+s17+$0x0], $0xffff  }
0x6a: {  	v52 =	vor.u32 v8, v23;
	v53 =	vor.u32 v13, v16;
	v38 =	vld.idx.msk [tilespmem:v34+s17+$0x0], $0xffff;
	[tilespmem:v39+s20+$0x0] =	vst.idx.msk $0xffff, v36  }
0x6b: {  	v36 =	vor.u32 v14, v17;
	[tilespmem:v31+s20+$0x0] =	vst.idx.msk $0xffff, v45;
	v31 =	vor.u32 v3, v21;
	v45 =	vld.idx.msk [tilespmem:v41+s17+$0x0], $0xffff  }
0x6c: {  	v55 =	vor.u32 v13, v18;
	v29 =	vmovc v48;
	v17 =	vmovc v22;
	v22 =	vmov v26;
	v26 =	vmov v35;
	v54 =	vld.idx.msk [tilespmem:v43+s17+$0x0], $0xffff  }
0x6d: {  	v48 =	vor.u32 v5, v25;
	[tilespmem:v42+s20+$0x0] =	vst.idx.msk $0xffff, v40;
	v40 =	vor.u32 v14, v19;
	v19 =	vmov v23  }
0x6e: {  	v56 =	vor.u32 v0, v27;
	v42 =	vor.u32 v4, v24;
	v44 =	vld.idx.msk [tilespmem:v44+s17+$0x0], $0xffff;
	[tilespmem:v46+s20+$0x0] =	vst.idx.msk $0xffff, v50  }
0x6f: {  	v34 =	vor.u32 v2, v30;
	v50 =	vor.u32 v6, v22;
	v39 =	vld.idx.msk [tilespmem:v52+s17+$0x0], $0xffff;
	[tilespmem:v53+s20+$0x0] =	vst.idx.msk $0xffff, v37  }
.Ltmp2:
0x70: {  	v41 =	vor.u32 v9, v47;
	[tilespmem:v31+s20+$0x0] =	vst.idx.msk $0xffff, v38;
	v38 =	vor.u32 v10, v17;
	v35 =	vld.idx.msk [tilespmem:v36+s17+$0x0], $0xffff;
	(pc) =	sbr.rel @p0 .LBB2_3-.Ltmp2, $4  }
0x71: {  	v23 =	vmov v24;
	v24 =	vmov v30;
	v37 =	vor.u32 v15, v16;
	v43 =	vld.idx.msk [tilespmem:v51+s17+$0x0], $0xffff;
	[tilespmem:v55+s20+$0x0] =	vst.idx.msk $0xffff, v45  }
0x72: {  	v36 =	vor.u32 v10, v19;
	v45 =	vor.u32 v0, v49;
	[tilespmem:v48+s20+$0x0] =	vst.idx.msk $0xffff, v54;
	v31 =	vld.idx.msk [tilespmem:v40+s17+$0x0], $0xffff  }
0x73: {  	v30 =	vor.u32 v15, v18;
	v46 =	vor.u32 v2, v26;
	v16 =	vmovc v20;
	v20 =	vmov v25;
	v42 =	vld.idx.msk [tilespmem:v42+s17+$0x0], $0xffff  }
0x74: {  	v18 =	vmov v47;
	v25 =	vmov v49;
	[tilespmem:v56+s20+$0x0] =	vst.idx.msk $0xffff, v44;
	v40 =	vld.idx.msk [tilespmem:v50+s17+$0x0], $0xffff;
	v44 =	vor.u32 v5, v21  }
0x75: {  	_ =	sdelay $0x3  }
0x76: {  	v34 =	vld.idx.msk [tilespmem:v34+s17+$0x0], $0xffff;
	v47 =	vor.u32 v3, v27;
	[tilespmem:v45+s20+$0x0] =	vst.idx.msk $0xffff, v43  }
0x77: {  	v55 =	vor.u32 v3, v25;
	v48 =	vor.u32 v4, v24;
	v43 =	vld.idx.msk [tilespmem:v46+s17+$0x0], $0xffff  }
0x78: {  	v56 =	vor.u32 v4, v26;
	_ =	sdelay $0x2  }
0x79: {  	[tilespmem:v47+s20+$0x0] =	vst.idx.msk $0xffff, v34  }
0x7a: {  	v60 =	vor.u32 v5, v27;
	v59 =	vld.idx.msk [tilespmem:v48+s17+$0x0], $0xffff;
	[tilespmem:v55+s20+$0x0] =	vst.idx.msk $0xffff, v43  }
0x7b: {  	v57 =	vor.u32 v5, v25;
	v43 =	vld.idx.msk [tilespmem:v56+s17+$0x0], $0xffff  }
0x7c: {  	v58 =	vor.u32 v6, v26  }
0x7d: {  	[tilespmem:v44+s20+$0x0] =	vst.idx.msk $0xffff, v42  }
0x7e: {  	v61 =	vor.u32 v8, v22;
	v62 =	vor.u32 v7, v21;
	v28 =	vld.idx.msk [tilespmem:v28+s17+$0x0], $0xffff  }
0x7f: {  	v63 =	vor.u32 v8, v23;
	[tilespmem:v60+s20+$0x0] =	vst.idx.msk $0xffff, v59  }
0x80: {  	v49 =	vor.u32 v7, v27;
	v33 =	vld.idx.msk [tilespmem:v33+s17+$0x0], $0xffff;
	[tilespmem:v57+s20+$0x0] =	vst.idx.msk $0xffff, v43  }
0x81: {  	[tilespmem:v41+s20+$0x0] =	vst.idx.msk $0xffff, v39;
	v50 =	vor.u32 v8, v24;
	v34 =	vld.idx.msk [tilespmem:v58+s17+$0x0], $0xffff  }
0x82: {  	[tilespmem:v29+s20+$0x0] =	vst.idx.msk $0xffff, v40;
	v48 =	vor.u32 v8, v26  }
0x83: {  	v29 =	vor.u32 v9, v20;
	v40 =	vld.idx.msk [tilespmem:v61+s17+$0x0], $0xffff;
	[tilespmem:v62+s20+$0x0] =	vst.idx.msk $0xffff, v28  }
0x84: {  	v51 =	vor.u32 v10, v22;
	v52 =	vor.u32 v9, v21;
	[tilespmem:v37+s20+$0x0] =	vst.idx.msk $0xffff, v35;
	v28 =	vld.idx.msk [tilespmem:v63+s17+$0x0], $0xffff  }
0x85: {  	v53 =	vor.u32 v10, v23;
	v38 =	vld.idx.msk [tilespmem:v38+s17+$0x0], $0xffff;
	v58 =	vor.u32 v11, v16;
	[tilespmem:v49+s20+$0x0] =	vst.idx.msk $0xffff, v33  }
0x86: {  	v59 =	vor.u32 v12, v17;
	v57 =	vor.u32 v9, v27;
	v33 =	vld.idx.msk [tilespmem:v50+s17+$0x0], $0xffff;
	[tilespmem:v32+s20+$0x0] =	vst.idx.msk $0xffff, v34  }
0x87: {  	v54 =	vor.u32 v9, v25;
	[tilespmem:v30+s20+$0x0] =	vst.idx.msk $0xffff, v31;
	v30 =	vor.u32 v10, v24;
	v55 =	vld.idx.msk [tilespmem:v48+s17+$0x0], $0xffff  }
0x88: {  	v36 =	vld.idx.msk [tilespmem:v36+s17+$0x0], $0xffff;
	v31 =	vor.u32 v11, v18;
	v56 =	vor.u32 v10, v26;
	[tilespmem:v29+s20+$0x0] =	vst.idx.msk $0xffff, v40  }
0x89: {  	v29 =	vor.u32 v12, v19;
	v40 =	vld.idx.msk [tilespmem:v51+s17+$0x0], $0xffff;
	[tilespmem:v52+s20+$0x0] =	vst.idx.msk $0xffff, v28;
	v28 =	vor.u32 v11, v20  }
0x8a: {  	v61 =	vor.u32 v12, v22;
	v60 =	vor.u32 v11, v21;
	v32 =	vld.idx.msk [tilespmem:v53+s17+$0x0], $0xffff;
	[tilespmem:v58+s20+$0x0] =	vst.idx.msk $0xffff, v38  }
0x8b: {  	v47 =	vor.u32 v13, v16;
	v62 =	vor.u32 v12, v23;
	v39 =	vld.idx.msk [tilespmem:v59+s17+$0x0], $0xffff;
	[tilespmem:v57+s20+$0x0] =	vst.idx.msk $0xffff, v33  }
0x8c: {  	v45 =	vor.u32 v11, v27;
	v17 =	vor.u32 v14, v17;
	v30 =	vld.idx.msk [tilespmem:v30+s17+$0x0], $0xffff;
	[tilespmem:v54+s20+$0x0] =	vst.idx.msk $0xffff, v55  }
0x8d: {  	[tilespmem:v31+s20+$0x0] =	vst.idx.msk $0xffff, v36;
	v31 =	vor.u32 v12, v24;
	v63 =	vor.u32 v11, v25;
	v35 =	vld.idx.msk [tilespmem:v56+s17+$0x0], $0xffff  }
0x8e: {  	v46 =	vor.u32 v12, v26;
	v29 =	vld.idx.msk [tilespmem:v29+s17+$0x0], $0xffff;
	v48 =	vor.u32 v13, v18;
	[tilespmem:v28+s20+$0x0] =	vst.idx.msk $0xffff, v40  }
0x8f: {  	v49 =	vor.u32 v13, v20;
	v28 =	vld.idx.msk [tilespmem:v61+s17+$0x0], $0xffff;
	[tilespmem:v60+s20+$0x0] =	vst.idx.msk $0xffff, v32  }
0x90: {  	v19 =	vor.u32 v14, v19;
	v50 =	vor.u32 v13, v21;
	v32 =	vld.idx.msk [tilespmem:v62+s17+$0x0], $0xffff;
	[tilespmem:v47+s20+$0x0] =	vst.idx.msk $0xffff, v39  }
0x91: {  	v22 =	vor.u32 v14, v22;
	v16 =	vor.u32 v15, v16;
	v17 =	vld.idx.msk [tilespmem:v17+s17+$0x0], $0xffff;
	[tilespmem:v45+s20+$0x0] =	vst.idx.msk $0xffff, v30  }
0x92: {  	v23 =	vor.u32 v14, v23;
	v30 =	vld.idx.msk [tilespmem:v31+s17+$0x0], $0xffff;
	v31 =	vor.u32 v13, v27;
	[tilespmem:v63+s20+$0x0] =	vst.idx.msk $0xffff, v35  }
0x93: {  	v24 =	vor.u32 v14, v24;
	v51 =	vor.u32 v13, v25;
	[tilespmem:v48+s20+$0x0] =	vst.idx.msk $0xffff, v29;
	v33 =	vld.idx.msk [tilespmem:v46+s17+$0x0], $0xffff  }
0x94: {  	v26 =	vor.u32 v14, v26;
	[tilespmem:v49+s20+$0x0] =	vst.idx.msk $0xffff, v28  }
0x95: {  	v18 =	vor.u32 v15, v18;
	v19 =	vld.idx.msk [tilespmem:v19+s17+$0x0], $0xffff;
	[tilespmem:v50+s20+$0x0] =	vst.idx.msk $0xffff, v32  }
0x96: {  	v20 =	vor.u32 v15, v20;
	v22 =	vld.idx.msk [tilespmem:v22+s17+$0x0], $0xffff;
	[tilespmem:v16+s20+$0x0] =	vst.idx.msk $0xffff, v17  }
0x97: {  	v21 =	vor.u32 v15, v21;
	v23 =	vld.idx.msk [tilespmem:v23+s17+$0x0], $0xffff;
	[tilespmem:v31+s20+$0x0] =	vst.idx.msk $0xffff, v30  }
0x98: {  	v17 =	vor.u32 v15, v27;
	v16 =	vld.idx.msk [tilespmem:v24+s17+$0x0], $0xffff;
	[tilespmem:v51+s20+$0x0] =	vst.idx.msk $0xffff, v33  }
0x99: {  	v25 =	vor.u32 v15, v25;
	v26 =	vld.idx.msk [tilespmem:v26+s17+$0x0], $0xffff  }
0x9a: {  	[tilespmem:v18+s20+$0x0] =	vst.idx.msk $0xffff, v19  }
0x9b: {  	s28 =	sshll.u32 s25, $0x13;
	[tilespmem:v20+s20+$0x0] =	vst.idx.msk $0xffff, v22  }
0x9c: {  	s29 =	sor.u32 s6, s28;
	[tilespmem:v21+s20+$0x0] =	vst.idx.msk $0xffff, v23  }
0x9d: {  	s29 =	sshrl.u32 s29, $0x3;
	[tilespmem:v17+s20+$0x0] =	vst.idx.msk $0xffff, v16  }
0x9e: {  	p0 =	seq.s32 s25, $0x63;
	s29 =	sadd.s32 s29, s10;
	[tilespmem:v25+s20+$0x0] =	vst.idx.msk $0xffff, v26  }
0x9f: {  	[hbm4b:s29+s12] =	stream.strided.scatter [tilespmem:s20], [sflag:$0x3], $0x2000, s13, s12, $0x38;
	[tilespmem:$0x14400] =	vst v63  }
0xa0: {  	s29 =	sshll.u32 @!p0 s26, $0x7  }
0xa1: {  	s29 =	sadd.s32 @!p0 $0x100, s29  }
0xa2: {  	s30 =	simm.s32 @!p0 $0x80;
	s31 =	simm.s32 @!p0 $0x6400;
	s29 =	sand.u32 @!p0 $0xFF00, s29  }
0xa3: {  	[tilespmem:s31], [sflag:$0x1] =	stream.indirect.gather @!p0 [hbm4b:s4+s30], $0x80, s29, s30, $0xb8;
	[tilespmem:$0x14400] =	vst v63  }
0xa4: {  	s29 =	simm.s32 $0x0  }
0xa5: {  	s31 =	sand.u32 $0xE, s29  }
0xa6: {  	p1 =	seq.s32 @!p0 s25, $0x0;
	v16 =	vadd.s32 s31, v0  }
0xa7: {  	p1 =	por p0, !p1;
	s29 =	sand.u32 $0x30, s29;
	v16 =	vand.u32 $0xF, v16  }
0xa8: {  	_ =	swait.ge @p1 [sflag:s23], $0x2000;
	v25 =	vor.u32 s29, v16  }
0xa9: {  	[sflag:s23] =	ssyncset.done @p1 $0x0;
	s30 =	sor.u32 $0x1, s31;
	v16 =	vor.u32 v1, v25  }
0xaa: {  	[sflag:s23] =	ssyncadd.s32 @p1 $0xFFFFE000;
	v17 =	vadd.s32 s30, v0  }
0xab: {  	_ =	swait.ge [sflag:s21], $0x4000;
	v17 =	vand.u32 $0xF, v17  }
0xac: {  	[sflag:s21] =	ssyncset.done $0x0;
	v32 =	vor.u32 s29, v17  }
0xad: {  	v31 =	vshll.u32 v25, $0x7;
	[sflag:s21] =	ssyncadd.s32 $0xFFFFC000;
	v17 =	vor.u32 v1, v32  }
0xae: {  	v18 =	vor.u32 v0, v31;
	v16 =	vld.idx.msk [tilespmem:v16+s18+$0x0], $0xffff  }
0xaf: {  	v19 =	vor.u32 v2, v25;
	_ =	sdelay $0x1  }
0xb0: {  	v30 =	vshll.u32 v32, $0x7  }
0xb1: {  	s29 =	simm.s32 $0x2;
	v21 =	vor.u32 v0, v30;
	v20 =	vld.idx.msk [tilespmem:v17+s18+$0x0], $0xffff  }
0xb2: {  	v22 =	vor.u32 v2, v32;
	s31 =	sand.u32 $0xE, s29;
	[tilespmem:v18+s22+$0x0] =	vst.idx.msk $0xffff, v16  }
0xb3: {  	v16 =	vadd.s32 s31, v0;
	v18 =	vld.idx.msk [tilespmem:v19+s18+$0x0], $0xffff;
	v19 =	vor.u32 v3, v31  }
0xb4: {  	v23 =	vor.u32 v4, v25;
	s29 =	sand.u32 $0x30, s29;
	v16 =	vand.u32 $0xF, v16  }
0xb5: {  	s30 =	sor.u32 $0x1, s31;
	v17 =	vor.u32 s29, v16  }
0xb6: {  	[tilespmem:v21+s22+$0x0] =	vst.idx.msk $0xffff, v20;
	v16 =	vadd.s32 s30, v0;
	v20 =	vor.u32 v1, v17  }
0xb7: {  	v21 =	vld.idx.msk [tilespmem:v22+s18+$0x0], $0xffff;
	v22 =	vor.u32 v3, v30;
	v16 =	vand.u32 $0xF, v16  }
0xb8: {  	[tilespmem:v19+s22+$0x0] =	vst.idx.msk $0xffff, v18;
	v19 =	vor.u32 v4, v32;
	v18 =	vor.u32 s29, v16  }
0xb9: {  	v24 =	vor.u32 v5, v31;
	v23 =	vld.idx.msk [tilespmem:v23+s18+$0x0], $0xffff;
	v27 =	vor.u32 v1, v18  }
0xba: {  	v26 =	vor.u32 v6, v25;
	v16 =	vshll.u32 v17, $0x7  }
0xbb: {  	v28 =	vor.u32 v0, v16;
	v20 =	vld.idx.msk [tilespmem:v20+s18+$0x0], $0xffff  }
0xbc: {  	s29 =	simm.s32 $0x4;
	[tilespmem:v22+s22+$0x0] =	vst.idx.msk $0xffff, v21;
	v21 =	vor.u32 v2, v17  }
0xbd: {  	v29 =	vor.u32 v5, v30;
	s30 =	sand.u32 $0xE, s29;
	v22 =	vld.idx.msk [tilespmem:v19+s18+$0x0], $0xffff;
	v19 =	vshll.u32 v18, $0x7  }
0xbe: {  	s31 =	sor.u32 $0x1, s30;
	[tilespmem:v24+s22+$0x0] =	vst.idx.msk $0xffff, v23;
	v27 =	vld.idx.msk [tilespmem:v27+s18+$0x0], $0xffff;
	v53 =	vor.u32 v0, v19  }
0xbf: {  	v52 =	vor.u32 v6, v32;
	v23 =	vadd.s32 s31, v0;
	v24 =	vor.u32 v7, v31;
	v26 =	vld.idx.msk [tilespmem:v26+s18+$0x0], $0xffff  }
0xc0: {  	v54 =	vor.u32 v8, v25;
	s29 =	sand.u32 $0x30, s29;
	[tilespmem:v28+s22+$0x0] =	vst.idx.msk $0xffff, v20;
	v23 =	vand.u32 $0xF, v23  }
0xc1: {  	v20 =	vor.u32 v2, v18;
	v28 =	vor.u32 v3, v16;
	v21 =	vld.idx.msk [tilespmem:v21+s18+$0x0], $0xffff;
	v23 =	vor.u32 s29, v23  }
0xc2: {  	v55 =	vadd.s32 s30, v0;
	v57 =	vor.u32 v1, v23;
	[tilespmem:v29+s22+$0x0] =	vst.idx.msk $0xffff, v22  }
0xc3: {  	v45 =	vor.u32 v12, v32;
	v29 =	vor.u32 v4, v17;
	v22 =	vand.u32 $0xF, v55;
	[tilespmem:v53+s22+$0x0] =	vst.idx.msk $0xffff, v27  }
0xc4: {  	v56 =	vor.u32 v7, v30;
	v33 =	vld.idx.msk [tilespmem:v52+s18+$0x0], $0xffff;
	v22 =	vor.u32 s29, v22;
	[tilespmem:v24+s22+$0x0] =	vst.idx.msk $0xffff, v26  }
0xc5: {  	v24 =	vor.u32 v8, v32;
	v26 =	vor.u32 v9, v31;
	v58 =	vor.u32 v1, v22;
	v27 =	vld.idx.msk [tilespmem:v54+s18+$0x0], $0xffff  }
0xc6: {  	v59 =	vld.idx.msk [tilespmem:v20+s18+$0x0], $0xffff;
	v20 =	vshll.u32 v23, $0x7;
	[tilespmem:v28+s22+$0x0] =	vst.idx.msk $0xffff, v21;
	v28 =	vor.u32 v3, v19  }
0xc7: {  	v35 =	vor.u32 v7, v16;
	v61 =	vor.u32 v5, v16;
	v52 =	vor.u32 v0, v20;
	v63 =	vld.idx.msk [tilespmem:v57+s18+$0x0], $0xffff  }
0xc8: {  	v62 =	vor.u32 v4, v18;
	v50 =	vor.u32 v5, v19;
	v51 =	vor.u32 v2, v23;
	v60 =	vld.idx.msk [tilespmem:v29+s18+$0x0], $0xffff  }
0xc9: {  	v55 =	vor.u32 v9, v30;
	v53 =	vor.u32 v6, v17;
	[tilespmem:v56+s22+$0x0] =	vst.idx.msk $0xffff, v33  }
0xca: {  	v21 =	vshll.u32 v22, $0x7;
	v54 =	vor.u32 v10, v25;
	v24 =	vld.idx.msk [tilespmem:v24+s18+$0x0], $0xffff;
	[tilespmem:v26+s22+$0x0] =	vst.idx.msk $0xffff, v27  }
0xcb: {  	v56 =	vor.u32 v10, v32;
	v26 =	vld.idx.msk [tilespmem:v58+s18+$0x0], $0xffff;
	v27 =	vor.u32 v0, v21;
	[tilespmem:v28+s22+$0x0] =	vst.idx.msk $0xffff, v59  }
0xcc: {  	v48 =	vor.u32 v2, v22;
	v57 =	vor.u32 v6, v18;
	[tilespmem:v52+s22+$0x0] =	vst.idx.msk $0xffff, v63  }
0xcd: {  	s29 =	simm.s32 $0x6;
	v29 =	vor.u32 v7, v21;
	v28 =	vor.u32 v6, v23;
	v49 =	vld.idx.msk [tilespmem:v62+s18+$0x0], $0xffff;
	[tilespmem:v61+s22+$0x0] =	vst.idx.msk $0xffff, v60  }
0xce: {  	s31 =	sand.u32 $0xE, s29;
	v62 =	vor.u32 v11, v30;
	v63 =	vor.u32 v3, v21;
	v52 =	vor.u32 v7, v19;
	v58 =	vld.idx.msk [tilespmem:v53+s18+$0x0], $0xffff  }
0xcf: {  	s30 =	sor.u32 $0x1, s31;
	v59 =	vld.idx.msk [tilespmem:v54+s18+$0x0], $0xffff;
	v60 =	vor.u32 v8, v17;
	v61 =	vor.u32 v11, v31;
	[tilespmem:v55+s22+$0x0] =	vst.idx.msk $0xffff, v24  }
0xd0: {  	[tilespmem:v27+s22+$0x0] =	vst.idx.msk $0xffff, v26;
	v27 =	vor.u32 v12, v25;
	v34 =	vld.idx.msk [tilespmem:v56+s18+$0x0], $0xffff;
	v26 =	vadd.s32 s30, v0  }
0xd1: {  	v54 =	vor.u32 v4, v22;
	v24 =	vadd.s32 s31, v0;
	s31 =	sand.u32 $0x30, s29;
	v38 =	vld.idx.msk [tilespmem:v48+s18+$0x0], $0xffff;
	v26 =	vand.u32 $0xF, v26  }
0xd2: {  	v41 =	vld.idx.msk [tilespmem:v51+s18+$0x0], $0xffff;
	v51 =	vor.u32 v4, v23;
	v53 =	vand.u32 $0xF, v24;
	[tilespmem:v50+s22+$0x0] =	vst.idx.msk $0xffff, v49;
	v24 =	vor.u32 s31, v26  }
0xd3: {  	v56 =	vor.u32 v9, v16;
	v55 =	vld.idx.msk [tilespmem:v57+s18+$0x0], $0xffff;
	[tilespmem:v35+s22+$0x0] =	vst.idx.msk $0xffff, v58;
	v57 =	vor.u32 v1, v24  }
0xd4: {  	[tilespmem:v61+s22+$0x0] =	vst.idx.msk $0xffff, v59;
	v26 =	vor.u32 s31, v53;
	v58 =	vor.u32 v8, v18;
	v37 =	vld.idx.msk [tilespmem:v60+s18+$0x0], $0xffff  }
0xd5: {  	v60 =	vor.u32 v3, v20;
	v36 =	vld.idx.msk [tilespmem:v27+s18+$0x0], $0xffff;
	[tilespmem:v62+s22+$0x0] =	vst.idx.msk $0xffff, v34;
	v62 =	vor.u32 v1, v26  }
0xd6: {  	v49 =	vor.u32 v14, v32;
	v59 =	vor.u32 v13, v31;
	[tilespmem:v63+s22+$0x0] =	vst.idx.msk $0xffff, v38;
	v45 =	vld.idx.msk [tilespmem:v45+s18+$0x0], $0xffff  }
0xd7: {  	v50 =	vor.u32 v5, v21;
	v61 =	vor.u32 v14, v25;
	v63 =	vor.u32 v13, v30;
	v47 =	vld.idx.msk [tilespmem:v54+s18+$0x0], $0xffff  }
0xd8: {  	v53 =	vor.u32 v6, v22;
	v25 =	vshll.u32 v26, $0x7;
	v27 =	vshll.u32 v24, $0x7;
	[tilespmem:v52+s22+$0x0] =	vst.idx.msk $0xffff, v55;
	v44 =	vld.idx.msk [tilespmem:v57+s18+$0x0], $0xffff  }
0xd9: {  	v33 =	vor.u32 v6, v24;
	v52 =	vor.u32 v0, v27;
	v39 =	vld.idx.msk [tilespmem:v58+s18+$0x0], $0xffff;
	[tilespmem:v56+s22+$0x0] =	vst.idx.msk $0xffff, v37  }
0xda: {  	v46 =	vor.u32 v2, v26;
	[tilespmem:v60+s22+$0x0] =	vst.idx.msk $0xffff, v41;
	v41 =	vor.u32 v9, v19;
	v43 =	vld.idx.msk [tilespmem:v62+s18+$0x0], $0xffff  }
0xdb: {  	v32 =	vor.u32 v7, v25;
	v38 =	vor.u32 v10, v17;
	[tilespmem:v59+s22+$0x0] =	vst.idx.msk $0xffff, v36;
	v42 =	vld.idx.msk [tilespmem:v51+s18+$0x0], $0xffff  }
0xdc: {  	v34 =	vor.u32 v2, v24;
	v37 =	vor.u32 v15, v31;
	v35 =	vld.idx.msk [tilespmem:v61+s18+$0x0], $0xffff;
	[tilespmem:v63+s22+$0x0] =	vst.idx.msk $0xffff, v45  }
0xdd: {  	v36 =	vor.u32 v10, v18;
	v45 =	vor.u32 v0, v25;
	v31 =	vld.idx.msk [tilespmem:v49+s18+$0x0], $0xffff;
	[tilespmem:v50+s22+$0x0] =	vst.idx.msk $0xffff, v47  }
0xde: {  	v30 =	vor.u32 v15, v30;
	[tilespmem:v52+s22+$0x0] =	vst.idx.msk $0xffff, v44;
	v40 =	vld.idx.msk [tilespmem:v53+s18+$0x0], $0xffff;
	v44 =	vor.u32 v5, v20  }
.LBB2_5:
0xdf: {  	[tilespmem:v41+s22+$0x0] =	vst.idx.msk $0xffff, v39;
	v39 =	vor.u32 v11, v19;
	v41 =	vor.u32 v12, v18  }
0xe0: {  	s29 =	sadd.s32 $0x2, s29;
	v38 =	vld.idx.msk [tilespmem:v38+s18+$0x0], $0xffff;
	v47 =	vmovc v20;
	v20 =	vmovc v27;
	v48 =	vmov v32;
	v27 =	vmov v28;
	v28 =	vmov v33  }
0xe1: {  	v32 =	vor.u32 v8, v22;
	v33 =	vor.u32 v11, v16;
	s30 =	sand.u32 $0xE, s29;
	p1 =	slt.u32 s29, $0x3E;
	[tilespmem:v37+s22+$0x0] =	vst.idx.msk $0xffff, v35  }
0xe2: {  	v37 =	vor.u32 v12, v17;
	v35 =	vadd.s32 s30, v0;
	s30 =	sor.u32 $0x1, s30;
	[tilespmem:v45+s22+$0x0] =	vst.idx.msk $0xffff, v43;
	v36 =	vld.idx.msk [tilespmem:v36+s18+$0x0], $0xffff  }
0xe3: {  	v35 =	vand.u32 $0xF, v35;
	v43 =	vadd.s32 s30, v0;
	v45 =	vld.idx.msk [tilespmem:v46+s18+$0x0], $0xffff;
	v46 =	vor.u32 v9, v21;
	[tilespmem:v30+s22+$0x0] =	vst.idx.msk $0xffff, v31  }
0xe4: {  	s30 =	sand.u32 $0x30, s29;
	v31 =	vor.u32 v3, v25;
	v30 =	vand.u32 $0xF, v43;
	[tilespmem:v44+s22+$0x0] =	vst.idx.msk $0xffff, v42;
	v42 =	vor.u32 v7, v47  }
0xe5: {  	v35 =	vor.u32 s30, v35;
	v43 =	vor.u32 v4, v26;
	v30 =	vor.u32 s30, v30;
	[tilespmem:v29+s22+$0x0] =	vst.idx.msk $0xffff, v40;
	v40 =	vld.idx.msk [tilespmem:v27+s18+$0x0], $0xffff  }
0xe6: {  	v49 =	vshll.u32 v35, $0x7;
	v44 =	vor.u32 v1, v30;
	v27 =	vshll.u32 v30, $0x7;
	v50 =	vld.idx.msk [tilespmem:v32+s18+$0x0], $0xffff;
	[tilespmem:v33+s22+$0x0] =	vst.idx.msk $0xffff, v38  }
0xe7: {  	v51 =	vor.u32 v1, v35;
	v32 =	vor.u32 v7, v49;
	v33 =	vor.u32 v6, v30;
	v37 =	vld.idx.msk [tilespmem:v37+s18+$0x0], $0xffff  }
0xe8: {  	v52 =	vor.u32 v8, v23;
	v53 =	vor.u32 v13, v16;
	v38 =	vld.idx.msk [tilespmem:v34+s18+$0x0], $0xffff;
	[tilespmem:v39+s22+$0x0] =	vst.idx.msk $0xffff, v36  }
0xe9: {  	v36 =	vor.u32 v14, v17;
	[tilespmem:v31+s22+$0x0] =	vst.idx.msk $0xffff, v45;
	v31 =	vor.u32 v3, v20;
	v45 =	vld.idx.msk [tilespmem:v41+s18+$0x0], $0xffff  }
0xea: {  	v55 =	vor.u32 v13, v19;
	v29 =	vmovc v48;
	v17 =	vmovc v22;
	v22 =	vmov v26;
	v26 =	vmov v35;
	v54 =	vld.idx.msk [tilespmem:v43+s18+$0x0], $0xffff  }
0xeb: {  	v48 =	vor.u32 v5, v25;
	[tilespmem:v42+s22+$0x0] =	vst.idx.msk $0xffff, v40;
	v40 =	vor.u32 v14, v18;
	v18 =	vmov v23  }
0xec: {  	v56 =	vor.u32 v0, v27;
	v42 =	vor.u32 v4, v24;
	v44 =	vld.idx.msk [tilespmem:v44+s18+$0x0], $0xffff;
	[tilespmem:v46+s22+$0x0] =	vst.idx.msk $0xffff, v50  }
0xed: {  	v34 =	vor.u32 v2, v30;
	v50 =	vor.u32 v6, v22;
	v39 =	vld.idx.msk [tilespmem:v52+s18+$0x0], $0xffff;
	[tilespmem:v53+s22+$0x0] =	vst.idx.msk $0xffff, v37  }
.Ltmp3:
0xee: {  	v41 =	vor.u32 v9, v47;
	[tilespmem:v31+s22+$0x0] =	vst.idx.msk $0xffff, v38;
	v38 =	vor.u32 v10, v17;
	v35 =	vld.idx.msk [tilespmem:v36+s18+$0x0], $0xffff;
	(pc) =	sbr.rel @p1 .LBB2_5-.Ltmp3, $4  }
0xef: {  	v23 =	vmov v24;
	v24 =	vmov v30;
	v37 =	vor.u32 v15, v16;
	v43 =	vld.idx.msk [tilespmem:v51+s18+$0x0], $0xffff;
	[tilespmem:v55+s22+$0x0] =	vst.idx.msk $0xffff, v45  }
0xf0: {  	v36 =	vor.u32 v10, v18;
	v45 =	vor.u32 v0, v49;
	[tilespmem:v48+s22+$0x0] =	vst.idx.msk $0xffff, v54;
	v31 =	vld.idx.msk [tilespmem:v40+s18+$0x0], $0xffff  }
0xf1: {  	v30 =	vor.u32 v15, v19;
	v46 =	vor.u32 v2, v26;
	v16 =	vmovc v21;
	v21 =	vmov v25;
	v42 =	vld.idx.msk [tilespmem:v42+s18+$0x0], $0xffff  }
0xf2: {  	v19 =	vmov v47;
	v25 =	vmov v49;
	[tilespmem:v56+s22+$0x0] =	vst.idx.msk $0xffff, v44;
	v40 =	vld.idx.msk [tilespmem:v50+s18+$0x0], $0xffff;
	v44 =	vor.u32 v5, v20  }
0xf3: {  	_ =	sdelay $0x3  }
0xf4: {  	v34 =	vld.idx.msk [tilespmem:v34+s18+$0x0], $0xffff;
	v47 =	vor.u32 v3, v27;
	[tilespmem:v45+s22+$0x0] =	vst.idx.msk $0xffff, v43  }
0xf5: {  	v63 =	vor.u32 v3, v25;
	v48 =	vor.u32 v4, v24;
	v43 =	vld.idx.msk [tilespmem:v46+s18+$0x0], $0xffff  }
0xf6: {  	v52 =	vor.u32 v4, v26;
	_ =	sdelay $0x2  }
0xf7: {  	[tilespmem:v47+s22+$0x0] =	vst.idx.msk $0xffff, v34  }
0xf8: {  	v56 =	vor.u32 v5, v27;
	v55 =	vld.idx.msk [tilespmem:v48+s18+$0x0], $0xffff;
	[tilespmem:v63+s22+$0x0] =	vst.idx.msk $0xffff, v43  }
0xf9: {  	v53 =	vor.u32 v5, v25;
	v43 =	vld.idx.msk [tilespmem:v52+s18+$0x0], $0xffff  }
0xfa: {  	v54 =	vor.u32 v6, v26  }
0xfb: {  	v57 =	vor.u32 v8, v22;
	[tilespmem:v44+s22+$0x0] =	vst.idx.msk $0xffff, v42  }
0xfc: {  	v58 =	vor.u32 v7, v20;
	v28 =	vld.idx.msk [tilespmem:v28+s18+$0x0], $0xffff  }
0xfd: {  	v59 =	vor.u32 v8, v23;
	[tilespmem:v56+s22+$0x0] =	vst.idx.msk $0xffff, v55  }
0xfe: {  	v61 =	vor.u32 v7, v27;
	v33 =	vld.idx.msk [tilespmem:v33+s18+$0x0], $0xffff;
	[tilespmem:v53+s22+$0x0] =	vst.idx.msk $0xffff, v43  }
0xff: {  	v62 =	vor.u32 v8, v24;
	[tilespmem:v29+s22+$0x0] =	vst.idx.msk $0xffff, v40;
	v34 =	vld.idx.msk [tilespmem:v54+s18+$0x0], $0xffff  }
0x100: {  	v60 =	vor.u32 v8, v26;
	[tilespmem:v41+s22+$0x0] =	vst.idx.msk $0xffff, v39;
	v40 =	vld.idx.msk [tilespmem:v57+s18+$0x0], $0xffff;
	v63 =	vor.u32 v9, v21  }
0x101: {  	v38 =	vld.idx.msk [tilespmem:v38+s18+$0x0], $0xffff;
	v48 =	vor.u32 v10, v22;
	[tilespmem:v58+s22+$0x0] =	vst.idx.msk $0xffff, v28;
	v55 =	vor.u32 v11, v16  }
0x102: {  	v49 =	vor.u32 v9, v20;
	[tilespmem:v37+s22+$0x0] =	vst.idx.msk $0xffff, v35;
	v58 =	vor.u32 v12, v17;
	v28 =	vld.idx.msk [tilespmem:v59+s18+$0x0], $0xffff  }
0x103: {  	v50 =	vor.u32 v10, v23;
	v36 =	vld.idx.msk [tilespmem:v36+s18+$0x0], $0xffff;
	[tilespmem:v61+s22+$0x0] =	vst.idx.msk $0xffff, v33  }
0x104: {  	v54 =	vor.u32 v9, v27;
	v33 =	vld.idx.msk [tilespmem:v62+s18+$0x0], $0xffff;
	[tilespmem:v32+s22+$0x0] =	vst.idx.msk $0xffff, v34  }
0x105: {  	v51 =	vor.u32 v9, v25;
	v56 =	vor.u32 v10, v24;
	[tilespmem:v63+s22+$0x0] =	vst.idx.msk $0xffff, v40;
	v52 =	vld.idx.msk [tilespmem:v60+s18+$0x0], $0xffff  }
0x106: {  	v57 =	vor.u32 v11, v19;
	v53 =	vor.u32 v10, v26;
	v40 =	vld.idx.msk [tilespmem:v48+s18+$0x0], $0xffff;
	[tilespmem:v55+s22+$0x0] =	vst.idx.msk $0xffff, v38  }
0x107: {  	v59 =	vor.u32 v12, v18;
	v48 =	vor.u32 v13, v16;
	[tilespmem:v49+s22+$0x0] =	vst.idx.msk $0xffff, v28;
	v39 =	vld.idx.msk [tilespmem:v58+s18+$0x0], $0xffff  }
0x108: {  	[tilespmem:v30+s22+$0x0] =	vst.idx.msk $0xffff, v31;
	v17 =	vor.u32 v14, v17;
	v61 =	vor.u32 v11, v20;
	v32 =	vld.idx.msk [tilespmem:v50+s18+$0x0], $0xffff  }
0x109: {  	v63 =	vor.u32 v12, v23;
	v60 =	vor.u32 v11, v21;
	[tilespmem:v54+s22+$0x0] =	vst.idx.msk $0xffff, v33  }
0x10a: {  	v46 =	vor.u32 v11, v27;
	v62 =	vor.u32 v12, v22;
	v30 =	vld.idx.msk [tilespmem:v56+s18+$0x0], $0xffff;
	[tilespmem:v51+s22+$0x0] =	vst.idx.msk $0xffff, v52  }
0x10b: {  	v45 =	vor.u32 v11, v25;
	[tilespmem:v57+s22+$0x0] =	vst.idx.msk $0xffff, v36;
	v49 =	vor.u32 v12, v24;
	v35 =	vld.idx.msk [tilespmem:v53+s18+$0x0], $0xffff  }
0x10c: {  	v47 =	vor.u32 v12, v26;
	v29 =	vld.idx.msk [tilespmem:v59+s18+$0x0], $0xffff;
	v50 =	vor.u32 v13, v19;
	[tilespmem:v48+s22+$0x0] =	vst.idx.msk $0xffff, v39  }
0x10d: {  	v16 =	vor.u32 v15, v16;
	v17 =	vld.idx.msk [tilespmem:v17+s18+$0x0], $0xffff;
	[tilespmem:v61+s22+$0x0] =	vst.idx.msk $0xffff, v32  }
0x10e: {  	v54 =	vor.u32 v13, v20;
	[tilespmem:v60+s22+$0x0] =	vst.idx.msk $0xffff, v40;
	v51 =	vor.u32 v14, v18;
	v32 =	vld.idx.msk [tilespmem:v63+s18+$0x0], $0xffff  }
0x10f: {  	v55 =	vor.u32 v14, v23;
	v52 =	vor.u32 v13, v21;
	v28 =	vld.idx.msk [tilespmem:v62+s18+$0x0], $0xffff;
	[tilespmem:v46+s22+$0x0] =	vst.idx.msk $0xffff, v30  }
0x110: {  	v58 =	vor.u32 v13, v27;
	v53 =	vor.u32 v14, v22;
	v30 =	vld.idx.msk [tilespmem:v49+s18+$0x0], $0xffff;
	[tilespmem:v45+s22+$0x0] =	vst.idx.msk $0xffff, v35  }
0x111: {  	v59 =	vor.u32 v14, v24;
	v56 =	vor.u32 v13, v25;
	[tilespmem:v50+s22+$0x0] =	vst.idx.msk $0xffff, v29;
	v33 =	vld.idx.msk [tilespmem:v47+s18+$0x0], $0xffff  }
0x112: {  	v57 =	vor.u32 v14, v26;
	[tilespmem:v16+s22+$0x0] =	vst.idx.msk $0xffff, v17  }
0x113: {  	v60 =	vor.u32 v15, v19;
	v18 =	vld.idx.msk [tilespmem:v51+s18+$0x0], $0xffff;
	[tilespmem:v54+s22+$0x0] =	vst.idx.msk $0xffff, v32  }
0x114: {  	v62 =	vor.u32 v15, v20;
	[tilespmem:v52+s22+$0x0] =	vst.idx.msk $0xffff, v28;
	v23 =	vld.idx.msk [tilespmem:v55+s18+$0x0], $0xffff  }
0x115: {  	v61 =	vor.u32 v15, v21;
	v22 =	vld.idx.msk [tilespmem:v53+s18+$0x0], $0xffff;
	[tilespmem:v58+s22+$0x0] =	vst.idx.msk $0xffff, v30  }
0x116: {  	v17 =	vor.u32 v15, v27;
	v16 =	vld.idx.msk [tilespmem:v59+s18+$0x0], $0xffff;
	[tilespmem:v56+s22+$0x0] =	vst.idx.msk $0xffff, v33  }
0x117: {  	v63 =	vor.u32 v15, v25;
	v26 =	vld.idx.msk [tilespmem:v57+s18+$0x0], $0xffff  }
0x118: {  	[tilespmem:v60+s22+$0x0] =	vst.idx.msk $0xffff, v18  }
.Ltmp4:
0x119: {  	[tilespmem:v62+s22+$0x0] =	vst.idx.msk $0xffff, v23;
	(pc) =	sbr.rel @p0 .LBB2_8-.Ltmp4, $4  }
0x11a: {  	s28 =	sadd.s32 s9, s28;
	[tilespmem:v61+s22+$0x0] =	vst.idx.msk $0xffff, v22  }
0x11b: {  	s28 =	sshrl.u32 s28, $0x3;
	[tilespmem:v17+s22+$0x0] =	vst.idx.msk $0xffff, v16  }
0x11c: {  	s28 =	sadd.s32 s2, s28;
	[tilespmem:v63+s22+$0x0] =	vst.idx.msk $0xffff, v26  }
0x11d: {  	[hbm4b:s28+s12] =	stream.strided.scatter [tilespmem:s22], [sflag:$0x3], $0x2000, s13, s12, $0x38;
	[tilespmem:$0x14400] =	vst v63  }
.Ltmp5:
0x11e: {  	(pc) =	sbr.rel .LBB2_2-.Ltmp5, $4  }
0x11f: {  	s26 =	sshll.u32 s26, $0x7  }
0x120: {  	s26 =	sadd.s32 $0x180, s26  }
0x121: {  	s25 =	sadd.s32 $0x1, s25;
	s26 =	sand.u32 $0xFF80, s26  }
0x122: {  	[tilespmem:s18], [sflag:$0x2] =	stream.indirect.gather [hbm4b:s4+s16], $0x80, s26, s16, $0xb8;
	[tilespmem:$0x14400] =	vst v63  }
.LBB2_9:
0x123: {  	_ =	sfence.sel $0x180000  }
0x124: {  	[bflag:$0x0] =	sbarrier.arrive $0xFFFF  }
0x125: {  	p0 =	sne.s32 s1, $0x0;
	_ =	strace $0x90000047  }
0x126: {  	s0 =	sadd.s32 @!p0 $0x100000, s0;
	[bflag:$0x2] =	sbarrier.arrive $0xFFFF  }
0x127: {  	[sflag:s0] =	ssyncadd.tile.s32 @!p0 $0x1;
	_ =	shalt  }
.Lfunc_end2:
_tile_overlayer_lowered:
.L_overlay_start_2:
0x128: {  	(tag) =	ssettag $0x2  }
0x129: {  	s0 =	rddreg [dreg:$0x0];
	s2 =	stileid.u32  }
0x12a: {  	s1 =	rddreg [dreg:$0x1];
	p0 =	sne.s32 s2, $0x0  }
0x12b: {  	s3 =	rddreg [dreg:$0x2];
	[bflag:$0x3] =	sbarrier.arrive $0xFFFF;
	s2 =	simm.s32 @!p0 $0x1C04  }
0x12c: {  	[timem:s3], [sflag:s2] =	dma.local @!p0 [hbm:s0], s1  }
0x12d: {  	s0 =	simm.s32 @!p0 $0x4  }
0x12e: {  	_ =	swait.ge @!p0 [sflag:s0], s1  }
0x12f: {  	s1 =	ssub.s32 @!p0 $0x0, s1;
	[sflag:s0] =	ssyncset.done @!p0 $0x0  }
0x130: {  	[sflag:s0] =	ssyncadd.s32 @!p0 s1  }
0x131: {  	[bflag:$0x3] =	sbarrier.arrive $0xFFFF  }
0x132: {  	_ =	shalt  }

</sc_bundles>
